<compile_context>
chip_gen: v7x
topology: tpu7x:2x2x1
jax: 0.10.2.dev20260603
libtpu: 0.0.44.dev20260713+nightly
codegen_flags: <defaults>
</compile_context>

<pallas_src>
import functools

import jax
import jax.numpy as jnp
from jax import lax
from jax.experimental import pallas as pl
from jax.experimental.pallas import tpu as pltpu
from jax.experimental.pallas import tpu_sc as plsc

MARGIN_ = 0.02
N_ = 4096
NW_ = 32
ROWS_ = N_ // NW_
L_ = 16


def _sc_body(p_hbm, y_hbm, out_hbm, pv, yv, numv, denv):
    wid = lax.axis_index("s") * 2 + lax.axis_index("c")
    row0 = wid * ROWS_
    pltpu.sync_copy(p_hbm, pv)
    pltpu.sync_copy(y_hbm, yv)

    def group_body(g, carry):
        acc_n, acc_d = carry
        pr = pv[pl.ds(row0 + g * L_, L_)]
        yr = yv[pl.ds(row0 + g * L_, L_)]
        for l in range(L_):
            p_i = pr[l]
            y_i = yr[l]
            mp_i = MARGIN_ - p_i

            def col_body(c, carry2):
                a_n, a_d = carry2
                pc = pv[pl.ds(c * L_, L_)]
                yc = yv[pl.ds(c * L_, L_)]
                w = jnp.maximum(y_i - yc, 0.0)
                h = jnp.maximum(mp_i + pc, 0.0)
                return a_n + h * w, a_d + w

            acc_n, acc_d = lax.fori_loop(
                0, N_ // L_, col_body, (acc_n, acc_d))
        return acc_n, acc_d

    zero = jnp.zeros((L_,), jnp.float32)
    acc_n, acc_d = lax.fori_loop(0, ROWS_ // L_, group_body, (zero, zero))

    numv[...] = acc_n
    denv[...] = acc_d
    pltpu.sync_copy(numv, out_hbm.at[2 * wid])
    pltpu.sync_copy(denv, out_hbm.at[2 * wid + 1])


@jax.jit
def kernel(pred, y_true):
    p = pred.reshape(-1).astype(jnp.float32)
    y = y_true.reshape(-1).astype(jnp.float32)

    mesh = plsc.VectorSubcoreMesh(core_axis_name="c", subcore_axis_name="s")
    run = functools.partial(
        pl.kernel,
        mesh=mesh,
        out_type=jax.ShapeDtypeStruct((2 * NW_, L_), jnp.float32),
        scratch_types=[
            pltpu.VMEM((N_,), jnp.float32),
            pltpu.VMEM((N_,), jnp.float32),
            pltpu.VMEM((L_,), jnp.float32),
            pltpu.VMEM((L_,), jnp.float32),
        ],
    )(_sc_body)

    parts = run(p, y)
    num = jnp.sum(parts[0::2, :])
    den = jnp.sum(parts[1::2, :])
    return num / (den + 1e-8)

# --- scband reference (transcript-rebuilt; emitter-appended) ---
"""Pipeline reference for scband-tournament-ranking-loss-22007412424923 (READ-ONLY COPY).

The authoritative reference and input builder live on the scoring server;
editing this copy changes nothing except your own understanding.
"""

import jax, jax.numpy as jnp
import numpy as np

MARGIN = 0.02


def setup_inputs(seed: int = 0) -> dict:
    key = jax.random.key(seed)
    k1, k2 = jax.random.split(key)
    pred = jax.random.normal(k1, (4096,), dtype=jnp.float32)
    # y_true is native-percent alpha: small spread around 0
    y_true = jax.random.normal(k2, (4096,), dtype=jnp.float32) * 0.05
    return {"pred": pred, "y_true": y_true}


def reference(pred, y_true):
    # pair_mode='full': dense all-pairs magnitude-weighted margin ranking loss
    p = pred.reshape(-1)
    y = y_true.reshape(-1)
    y_diff = y[:, None] - y[None, :]          # (N, N)
    p_diff = p[:, None] - p[None, :]          # (N, N)
    mask = (y_diff > 0).astype(p.dtype)
    weight = jnp.abs(y_diff) * mask
    hinge = jax.nn.relu(MARGIN - p_diff)
    den = weight.sum() + 1e-08
    return (hinge * weight).sum() / den

if __name__ == "__main__":
    import jax
    _d = setup_inputs()
    print(jax.jit(kernel)(*tuple(_d.values())))

</pallas_src>

<mosaic_0001>
#map = affine_map<(d0, d1) -> (0)>
#map1 = affine_map<(d0, d1) -> (0, 0)>
module attributes {stable_mosaic.version = 14 : i64} {
  func.func @_sc_body(%arg0: i32, %arg1: i32, %arg2: memref<4096xf32, #tpu.memory_space<hbm>>, %arg3: memref<4096xf32, #tpu.memory_space<hbm>>, %arg4: memref<64x16xf32, #tpu.memory_space<hbm>>, %arg5: memref<4096xf32, #tpu.memory_space<vmem>>, %arg6: memref<4096xf32, #tpu.memory_space<vmem>>, %arg7: memref<16xf32, #tpu.memory_space<vmem>>, %arg8: memref<16xf32, #tpu.memory_space<vmem>>) attributes {dimension_semantics = [#tpu.dimension_semantics<core_parallel>, #tpu.dimension_semantics<subcore_parallel>], iteration_bounds = array<i64: 2, 16>, scalar_prefetch = 0 : i64, scratch_operands = 4 : i64, tpu.core_type = #tpu.core_type<sc_vector_subcore>, window_params = [{transform_indices = #map}, {transform_indices = #map}, {transform_indices = #map1}]} {
    %mul3A = arith.constant 2 : i32
    %mul3A_0 = arith.muli %arg1, %mul3A : i32
    %add3A = arith.addi %mul3A_0, %arg0 : i32
    %mul3A_1 = arith.constant 128 : i32
    %mul3A_2 = arith.muli %add3A, %mul3A_1 : i32
    "tpu.region"() ({
      %run_scoped3A = tpu.sem_alloc : memref<!tpu.dma_semaphore, #tpu.memory_space<semaphore_mem>>
      tpu.enqueue_dma source(%arg2 : memref<4096xf32, #tpu.memory_space<hbm>>) target(%arg5 : memref<4096xf32, #tpu.memory_space<vmem>>) target_semaphore(%run_scoped3A : memref<!tpu.dma_semaphore, #tpu.memory_space<semaphore_mem>>)
      tpu.wait_dma2 semaphore(%run_scoped3A : memref<!tpu.dma_semaphore, #tpu.memory_space<semaphore_mem>>) src(%arg2 : memref<4096xf32, #tpu.memory_space<hbm>>) dst(%arg5 : memref<4096xf32, #tpu.memory_space<vmem>>)
      tpu.yield
    }) : () -> ()
    "tpu.region"() ({
      %run_scoped3A = tpu.sem_alloc : memref<!tpu.dma_semaphore, #tpu.memory_space<semaphore_mem>>
      tpu.enqueue_dma source(%arg3 : memref<4096xf32, #tpu.memory_space<hbm>>) target(%arg6 : memref<4096xf32, #tpu.memory_space<vmem>>) target_semaphore(%run_scoped3A : memref<!tpu.dma_semaphore, #tpu.memory_space<semaphore_mem>>)
      tpu.wait_dma2 semaphore(%run_scoped3A : memref<!tpu.dma_semaphore, #tpu.memory_space<semaphore_mem>>) src(%arg3 : memref<4096xf32, #tpu.memory_space<hbm>>) dst(%arg6 : memref<4096xf32, #tpu.memory_space<vmem>>)
      tpu.yield
    }) : () -> ()
    %broadcast_in_dim3A = arith.constant 0.000000e+00 : f32
    %broadcast_in_dim3A_3 = vector.broadcast %broadcast_in_dim3A : f32 to vector<16xf32>
    %scan3A = arith.constant 0 : i32
    %scan3A_4 = arith.constant 8 : i32
    %scan3A_5 = arith.addi %scan3A, %scan3A_4 : i32
    %scan3A_6 = arith.constant 1 : i32
    %scan3A_7:2 = scf.for %scan3A_22 = %scan3A to %scan3A_5 step %scan3A_6 iter_args(%scan3A_23 = %broadcast_in_dim3A_3, %scan3A_24 = %broadcast_in_dim3A_3) -> (vector<16xf32>, vector<16xf32>)  : i32 {
      %mul3A_25 = arith.constant 16 : i32
      %mul3A_26 = arith.muli %scan3A_22, %mul3A_25 : i32
      %add3A_27 = arith.addi %mul3A_2, %mul3A_26 : i32
      %get3A = arith.index_cast %add3A_27 : i32 to index
      %get3A_28 = tpu.vector_load %arg5[%get3A] {strides = array<i32>} : memref<4096xf32, #tpu.memory_space<vmem>>, vector<16xf32>,
      %get3A_29 = vector.shape_cast %get3A_28 : vector<16xf32> to vector<16xf32>
      %mul3A_30 = arith.constant 16 : i32
      %mul3A_31 = arith.muli %scan3A_22, %mul3A_30 : i32
      %add3A_32 = arith.addi %mul3A_2, %mul3A_31 : i32
      %get3A_33 = arith.index_cast %add3A_32 : i32 to index
      %get3A_34 = tpu.vector_load %arg6[%get3A_33] {strides = array<i32>} : memref<4096xf32, #tpu.memory_space<vmem>>, vector<16xf32>,
      %get3A_35 = vector.shape_cast %get3A_34 : vector<16xf32> to vector<16xf32>
      %slice3A = vector.extract_strided_slice %get3A_29 {offsets = [0], sizes = [1], strides = [1]} : vector<16xf32> to vector<1xf32>
      %squeeze3A = vector.extract %slice3A[0] : f32 from vector<1xf32>
      %slice3A_36 = vector.extract_strided_slice %get3A_35 {offsets = [0], sizes = [1], strides = [1]} : vector<16xf32> to vector<1xf32>
      %squeeze3A_37 = vector.extract %slice3A_36[0] : f32 from vector<1xf32>
      %sub3A = arith.constant 2.000000e-02 : f32
      %sub3A_38 = arith.subf %sub3A, %squeeze3A : f32
      %scan3A_39 = arith.constant 0 : i32
      %scan3A_40 = arith.constant 256 : i32
      %scan3A_41 = arith.addi %scan3A_39, %scan3A_40 : i32
      %scan3A_42 = arith.constant 1 : i32
      %scan3A_43:2 = scf.for %scan3A_225 = %scan3A_39 to %scan3A_41 step %scan3A_42 iter_args(%scan3A_226 = %scan3A_23, %scan3A_227 = %scan3A_24) -> (vector<16xf32>, vector<16xf32>)  : i32 {
        %mul3A_228 = arith.constant 16 : i32
        %mul3A_229 = arith.muli %scan3A_225, %mul3A_228 : i32
        %get3A_230 = arith.index_cast %mul3A_229 : i32 to index
        %get3A_231 = tpu.vector_load %arg5[%get3A_230] {strides = array<i32>} : memref<4096xf32, #tpu.memory_space<vmem>>, vector<16xf32>,
        %get3A_232 = vector.shape_cast %get3A_231 : vector<16xf32> to vector<16xf32>
        %mul3A_233 = arith.constant 16 : i32
        %mul3A_234 = arith.muli %scan3A_225, %mul3A_233 : i32
        %get3A_235 = arith.index_cast %mul3A_234 : i32 to index
        %get3A_236 = tpu.vector_load %arg6[%get3A_235] {strides = array<i32>} : memref<4096xf32, #tpu.memory_space<vmem>>, vector<16xf32>,
        %get3A_237 = vector.shape_cast %get3A_236 : vector<16xf32> to vector<16xf32>
        %sub3A_238 = vector.broadcast %squeeze3A_37 : f32 to vector<16xf32>
        %sub3A_239 = arith.subf %sub3A_238, %get3A_237 : vector<16xf32>
        %max3A = arith.constant 0.000000e+00 : f32
        %max3A_240 = vector.broadcast %max3A : f32 to vector<16xf32>
        %max3A_241 = arith.maximumf %sub3A_239, %max3A_240 : vector<16xf32>
        %add3A_242 = vector.broadcast %sub3A_38 : f32 to vector<16xf32>
        %add3A_243 = arith.addf %add3A_242, %get3A_232 : vector<16xf32>
        %max3A_244 = arith.constant 0.000000e+00 : f32
        %max3A_245 = vector.broadcast %max3A_244 : f32 to vector<16xf32>
        %max3A_246 = arith.maximumf %add3A_243, %max3A_245 : vector<16xf32>
        %mul3A_247 = arith.mulf %max3A_246, %max3A_241 : vector<16xf32>
        %add3A_248 = arith.addf %scan3A_226, %mul3A_247 : vector<16xf32>
        %add3A_249 = arith.addf %scan3A_227, %max3A_241 : vector<16xf32>
        scf.yield %add3A_248, %add3A_249 : vector<16xf32>, vector<16xf32>
      }
      %scan3A_44 = arith.constant 256 : i32
      %slice3A_45 = vector.extract_strided_slice %get3A_29 {offsets = [1], sizes = [1], strides = [1]} : vector<16xf32> to vector<1xf32>
      %squeeze3A_46 = vector.extract %slice3A_45[0] : f32 from vector<1xf32>
      %slice3A_47 = vector.extract_strided_slice %get3A_35 {offsets = [1], sizes = [1], strides = [1]} : vector<16xf32> to vector<1xf32>
      %squeeze3A_48 = vector.extract %slice3A_47[0] : f32 from vector<1xf32>
      %sub3A_49 = arith.constant 2.000000e-02 : f32
      %sub3A_50 = arith.subf %sub3A_49, %squeeze3A_46 : f32
      %scan3A_51 = arith.constant 0 : i32
      %scan3A_52 = arith.constant 256 : i32
      %scan3A_53 = arith.addi %scan3A_51, %scan3A_52 : i32
      %scan3A_54 = arith.constant 1 : i32
      %scan3A_55:2 = scf.for %scan3A_225 = %scan3A_51 to %scan3A_53 step %scan3A_54 iter_args(%scan3A_226 = %scan3A_43#0, %scan3A_227 = %scan3A_43#1) -> (vector<16xf32>, vector<16xf32>)  : i32 {
        %mul3A_228 = arith.constant 16 : i32
        %mul3A_229 = arith.muli %scan3A_225, %mul3A_228 : i32
        %get3A_230 = arith.index_cast %mul3A_229 : i32 to index
        %get3A_231 = tpu.vector_load %arg5[%get3A_230] {strides = array<i32>} : memref<4096xf32, #tpu.memory_space<vmem>>, vector<16xf32>,
        %get3A_232 = vector.shape_cast %get3A_231 : vector<16xf32> to vector<16xf32>
        %mul3A_233 = arith.constant 16 : i32
        %mul3A_234 = arith.muli %scan3A_225, %mul3A_233 : i32
        %get3A_235 = arith.index_cast %mul3A_234 : i32 to index
        %get3A_236 = tpu.vector_load %arg6[%get3A_235] {strides = array<i32>} : memref<4096xf32, #tpu.memory_space<vmem>>, vector<16xf32>,
        %get3A_237 = vector.shape_cast %get3A_236 : vector<16xf32> to vector<16xf32>
        %sub3A_238 = vector.broadcast %squeeze3A_48 : f32 to vector<16xf32>
        %sub3A_239 = arith.subf %sub3A_238, %get3A_237 : vector<16xf32>
        %max3A = arith.constant 0.000000e+00 : f32
        %max3A_240 = vector.broadcast %max3A : f32 to vector<16xf32>
        %max3A_241 = arith.maximumf %sub3A_239, %max3A_240 : vector<16xf32>
        %add3A_242 = vector.broadcast %sub3A_50 : f32 to vector<16xf32>
        %add3A_243 = arith.addf %add3A_242, %get3A_232 : vector<16xf32>
        %max3A_244 = arith.constant 0.000000e+00 : f32
        %max3A_245 = vector.broadcast %max3A_244 : f32 to vector<16xf32>
        %max3A_246 = arith.maximumf %add3A_243, %max3A_245 : vector<16xf32>
        %mul3A_247 = arith.mulf %max3A_246, %max3A_241 : vector<16xf32>
        %add3A_248 = arith.addf %scan3A_226, %mul3A_247 : vector<16xf32>
        %add3A_249 = arith.addf %scan3A_227, %max3A_241 : vector<16xf32>
        scf.yield %add3A_248, %add3A_249 : vector<16xf32>, vector<16xf32>
      }
      %scan3A_56 = arith.constant 256 : i32
      %slice3A_57 = vector.extract_strided_slice %get3A_29 {offsets = [2], sizes = [1], strides = [1]} : vector<16xf32> to vector<1xf32>
      %squeeze3A_58 = vector.extract %slice3A_57[0] : f32 from vector<1xf32>
      %slice3A_59 = vector.extract_strided_slice %get3A_35 {offsets = [2], sizes = [1], strides = [1]} : vector<16xf32> to vector<1xf32>
      %squeeze3A_60 = vector.extract %slice3A_59[0] : f32 from vector<1xf32>
      %sub3A_61 = arith.constant 2.000000e-02 : f32
      %sub3A_62 = arith.subf %sub3A_61, %squeeze3A_58 : f32
      %scan3A_63 = arith.constant 0 : i32
      %scan3A_64 = arith.constant 256 : i32
      %scan3A_65 = arith.addi %scan3A_63, %scan3A_64 : i32
      %scan3A_66 = arith.constant 1 : i32
      %scan3A_67:2 = scf.for %scan3A_225 = %scan3A_63 to %scan3A_65 step %scan3A_66 iter_args(%scan3A_226 = %scan3A_55#0, %scan3A_227 = %scan3A_55#1) -> (vector<16xf32>, vector<16xf32>)  : i32 {
        %mul3A_228 = arith.constant 16 : i32
        %mul3A_229 = arith.muli %scan3A_225, %mul3A_228 : i32
        %get3A_230 = arith.index_cast %mul3A_229 : i32 to index
        %get3A_231 = tpu.vector_load %arg5[%get3A_230] {strides = array<i32>} : memref<4096xf32, #tpu.memory_space<vmem>>, vector<16xf32>,
        %get3A_232 = vector.shape_cast %get3A_231 : vector<16xf32> to vector<16xf32>
        %mul3A_233 = arith.constant 16 : i32
        %mul3A_234 = arith.muli %scan3A_225, %mul3A_233 : i32
        %get3A_235 = arith.index_cast %mul3A_234 : i32 to index
        %get3A_236 = tpu.vector_load %arg6[%get3A_235] {strides = array<i32>} : memref<4096xf32, #tpu.memory_space<vmem>>, vector<16xf32>,
        %get3A_237 = vector.shape_cast %get3A_236 : vector<16xf32> to vector<16xf32>
        %sub3A_238 = vector.broadcast %squeeze3A_60 : f32 to vector<16xf32>
        %sub3A_239 = arith.subf %sub3A_238, %get3A_237 : vector<16xf32>
        %max3A = arith.constant 0.000000e+00 : f32
        %max3A_240 = vector.broadcast %max3A : f32 to vector<16xf32>
        %max3A_241 = arith.maximumf %sub3A_239, %max3A_240 : vector<16xf32>
        %add3A_242 = vector.broadcast %sub3A_62 : f32 to vector<16xf32>
        %add3A_243 = arith.addf %add3A_242, %get3A_232 : vector<16xf32>
        %max3A_244 = arith.constant 0.000000e+00 : f32
        %max3A_245 = vector.broadcast %max3A_244 : f32 to vector<16xf32>
        %max3A_246 = arith.maximumf %add3A_243, %max3A_245 : vector<16xf32>
        %mul3A_247 = arith.mulf %max3A_246, %max3A_241 : vector<16xf32>
        %add3A_248 = arith.addf %scan3A_226, %mul3A_247 : vector<16xf32>
        %add3A_249 = arith.addf %scan3A_227, %max3A_241 : vector<16xf32>
        scf.yield %add3A_248, %add3A_249 : vector<16xf32>, vector<16xf32>
      }
      %scan3A_68 = arith.constant 256 : i32
      %slice3A_69 = vector.extract_strided_slice %get3A_29 {offsets = [3], sizes = [1], strides = [1]} : vector<16xf32> to vector<1xf32>
      %squeeze3A_70 = vector.extract %slice3A_69[0] : f32 from vector<1xf32>
      %slice3A_71 = vector.extract_strided_slice %get3A_35 {offsets = [3], sizes = [1], strides = [1]} : vector<16xf32> to vector<1xf32>
      %squeeze3A_72 = vector.extract %slice3A_71[0] : f32 from vector<1xf32>
      %sub3A_73 = arith.constant 2.000000e-02 : f32
      %sub3A_74 = arith.subf %sub3A_73, %squeeze3A_70 : f32
      %scan3A_75 = arith.constant 0 : i32
      %scan3A_76 = arith.constant 256 : i32
      %scan3A_77 = arith.addi %scan3A_75, %scan3A_76 : i32
      %scan3A_78 = arith.constant 1 : i32
      %scan3A_79:2 = scf.for %scan3A_225 = %scan3A_75 to %scan3A_77 step %scan3A_78 iter_args(%scan3A_226 = %scan3A_67#0, %scan3A_227 = %scan3A_67#1) -> (vector<16xf32>, vector<16xf32>)  : i32 {
        %mul3A_228 = arith.constant 16 : i32
        %mul3A_229 = arith.muli %scan3A_225, %mul3A_228 : i32
        %get3A_230 = arith.index_cast %mul3A_229 : i32 to index
        %get3A_231 = tpu.vector_load %arg5[%get3A_230] {strides = array<i32>} : memref<4096xf32, #tpu.memory_space<vmem>>, vector<16xf32>,
        %get3A_232 = vector.shape_cast %get3A_231 : vector<16xf32> to vector<16xf32>
        %mul3A_233 = arith.constant 16 : i32
        %mul3A_234 = arith.muli %scan3A_225, %mul3A_233 : i32
        %get3A_235 = arith.index_cast %mul3A_234 : i32 to index
        %get3A_236 = tpu.vector_load %arg6[%get3A_235] {strides = array<i32>} : memref<4096xf32, #tpu.memory_space<vmem>>, vector<16xf32>,
        %get3A_237 = vector.shape_cast %get3A_236 : vector<16xf32> to vector<16xf32>
        %sub3A_238 = vector.broadcast %squeeze3A_72 : f32 to vector<16xf32>
        %sub3A_239 = arith.subf %sub3A_238, %get3A_237 : vector<16xf32>
        %max3A = arith.constant 0.000000e+00 : f32
        %max3A_240 = vector.broadcast %max3A : f32 to vector<16xf32>
        %max3A_241 = arith.maximumf %sub3A_239, %max3A_240 : vector<16xf32>
        %add3A_242 = vector.broadcast %sub3A_74 : f32 to vector<16xf32>
        %add3A_243 = arith.addf %add3A_242, %get3A_232 : vector<16xf32>
        %max3A_244 = arith.constant 0.000000e+00 : f32
        %max3A_245 = vector.broadcast %max3A_244 : f32 to vector<16xf32>
        %max3A_246 = arith.maximumf %add3A_243, %max3A_245 : vector<16xf32>
        %mul3A_247 = arith.mulf %max3A_246, %max3A_241 : vector<16xf32>
        %add3A_248 = arith.addf %scan3A_226, %mul3A_247 : vector<16xf32>
        %add3A_249 = arith.addf %scan3A_227, %max3A_241 : vector<16xf32>
        scf.yield %add3A_248, %add3A_249 : vector<16xf32>, vector<16xf32>
      }
      %scan3A_80 = arith.constant 256 : i32
      %slice3A_81 = vector.extract_strided_slice %get3A_29 {offsets = [4], sizes = [1], strides = [1]} : vector<16xf32> to vector<1xf32>
      %squeeze3A_82 = vector.extract %slice3A_81[0] : f32 from vector<1xf32>
      %slice3A_83 = vector.extract_strided_slice %get3A_35 {offsets = [4], sizes = [1], strides = [1]} : vector<16xf32> to vector<1xf32>
      %squeeze3A_84 = vector.extract %slice3A_83[0] : f32 from vector<1xf32>
      %sub3A_85 = arith.constant 2.000000e-02 : f32
      %sub3A_86 = arith.subf %sub3A_85, %squeeze3A_82 : f32
      %scan3A_87 = arith.constant 0 : i32
      %scan3A_88 = arith.constant 256 : i32
      %scan3A_89 = arith.addi %scan3A_87, %scan3A_88 : i32
      %scan3A_90 = arith.constant 1 : i32
      %scan3A_91:2 = scf.for %scan3A_225 = %scan3A_87 to %scan3A_89 step %scan3A_90 iter_args(%scan3A_226 = %scan3A_79#0, %scan3A_227 = %scan3A_79#1) -> (vector<16xf32>, vector<16xf32>)  : i32 {
        %mul3A_228 = arith.constant 16 : i32
        %mul3A_229 = arith.muli %scan3A_225, %mul3A_228 : i32
        %get3A_230 = arith.index_cast %mul3A_229 : i32 to index
        %get3A_231 = tpu.vector_load %arg5[%get3A_230] {strides = array<i32>} : memref<4096xf32, #tpu.memory_space<vmem>>, vector<16xf32>,
        %get3A_232 = vector.shape_cast %get3A_231 : vector<16xf32> to vector<16xf32>
        %mul3A_233 = arith.constant 16 : i32
        %mul3A_234 = arith.muli %scan3A_225, %mul3A_233 : i32
        %get3A_235 = arith.index_cast %mul3A_234 : i32 to index
        %get3A_236 = tpu.vector_load %arg6[%get3A_235] {strides = array<i32>} : memref<4096xf32, #tpu.memory_space<vmem>>, vector<16xf32>,
        %get3A_237 = vector.shape_cast %get3A_236 : vector<16xf32> to vector<16xf32>
        %sub3A_238 = vector.broadcast %squeeze3A_84 : f32 to vector<16xf32>
        %sub3A_239 = arith.subf %sub3A_238, %get3A_237 : vector<16xf32>
        %max3A = arith.constant 0.000000e+00 : f32
        %max3A_240 = vector.broadcast %max3A : f32 to vector<16xf32>
        %max3A_241 = arith.maximumf %sub3A_239, %max3A_240 : vector<16xf32>
        %add3A_242 = vector.broadcast %sub3A_86 : f32 to vector<16xf32>
        %add3A_243 = arith.addf %add3A_242, %get3A_232 : vector<16xf32>
        %max3A_244 = arith.constant 0.000000e+00 : f32
        %max3A_245 = vector.broadcast %max3A_244 : f32 to vector<16xf32>
        %max3A_246 = arith.maximumf %add3A_243, %max3A_245 : vector<16xf32>
        %mul3A_247 = arith.mulf %max3A_246, %max3A_241 : vector<16xf32>
        %add3A_248 = arith.addf %scan3A_226, %mul3A_247 : vector<16xf32>
        %add3A_249 = arith.addf %scan3A_227, %max3A_241 : vector<16xf32>
        scf.yield %add3A_248, %add3A_249 : vector<16xf32>, vector<16xf32>
      }
      %scan3A_92 = arith.constant 256 : i32
      %slice3A_93 = vector.extract_strided_slice %get3A_29 {offsets = [5], sizes = [1], strides = [1]} : vector<16xf32> to vector<1xf32>
      %squeeze3A_94 = vector.extract %slice3A_93[0] : f32 from vector<1xf32>
      %slice3A_95 = vector.extract_strided_slice %get3A_35 {offsets = [5], sizes = [1], strides = [1]} : vector<16xf32> to vector<1xf32>
      %squeeze3A_96 = vector.extract %slice3A_95[0] : f32 from vector<1xf32>
      %sub3A_97 = arith.constant 2.000000e-02 : f32
      %sub3A_98 = arith.subf %sub3A_97, %squeeze3A_94 : f32
      %scan3A_99 = arith.constant 0 : i32
      %scan3A_100 = arith.constant 256 : i32
      %scan3A_101 = arith.addi %scan3A_99, %scan3A_100 : i32
      %scan3A_102 = arith.constant 1 : i32
      %scan3A_103:2 = scf.for %scan3A_225 = %scan3A_99 to %scan3A_101 step %scan3A_102 iter_args(%scan3A_226 = %scan3A_91#0, %scan3A_227 = %scan3A_91#1) -> (vector<16xf32>, vector<16xf32>)  : i32 {
        %mul3A_228 = arith.constant 16 : i32
        %mul3A_229 = arith.muli %scan3A_225, %mul3A_228 : i32
        %get3A_230 = arith.index_cast %mul3A_229 : i32 to index
        %get3A_231 = tpu.vector_load %arg5[%get3A_230] {strides = array<i32>} : memref<4096xf32, #tpu.memory_space<vmem>>, vector<16xf32>,
        %get3A_232 = vector.shape_cast %get3A_231 : vector<16xf32> to vector<16xf32>
        %mul3A_233 = arith.constant 16 : i32
        %mul3A_234 = arith.muli %scan3A_225, %mul3A_233 : i32
        %get3A_235 = arith.index_cast %mul3A_234 : i32 to index
        %get3A_236 = tpu.vector_load %arg6[%get3A_235] {strides = array<i32>} : memref<4096xf32, #tpu.memory_space<vmem>>, vector<16xf32>,
        %get3A_237 = vector.shape_cast %get3A_236 : vector<16xf32> to vector<16xf32>
        %sub3A_238 = vector.broadcast %squeeze3A_96 : f32 to vector<16xf32>
        %sub3A_239 = arith.subf %sub3A_238, %get3A_237 : vector<16xf32>
        %max3A = arith.constant 0.000000e+00 : f32
        %max3A_240 = vector.broadcast %max3A : f32 to vector<16xf32>
        %max3A_241 = arith.maximumf %sub3A_239, %max3A_240 : vector<16xf32>
        %add3A_242 = vector.broadcast %sub3A_98 : f32 to vector<16xf32>
        %add3A_243 = arith.addf %add3A_242, %get3A_232 : vector<16xf32>
        %max3A_244 = arith.constant 0.000000e+00 : f32
        %max3A_245 = vector.broadcast %max3A_244 : f32 to vector<16xf32>
        %max3A_246 = arith.maximumf %add3A_243, %max3A_245 : vector<16xf32>
        %mul3A_247 = arith.mulf %max3A_246, %max3A_241 : vector<16xf32>
        %add3A_248 = arith.addf %scan3A_226, %mul3A_247 : vector<16xf32>
        %add3A_249 = arith.addf %scan3A_227, %max3A_241 : vector<16xf32>
        scf.yield %add3A_248, %add3A_249 : vector<16xf32>, vector<16xf32>
      }
      %scan3A_104 = arith.constant 256 : i32
      %slice3A_105 = vector.extract_strided_slice %get3A_29 {offsets = [6], sizes = [1], strides = [1]} : vector<16xf32> to vector<1xf32>
      %squeeze3A_106 = vector.extract %slice3A_105[0] : f32 from vector<1xf32>
      %slice3A_107 = vector.extract_strided_slice %get3A_35 {offsets = [6], sizes = [1], strides = [1]} : vector<16xf32> to vector<1xf32>
      %squeeze3A_108 = vector.extract %slice3A_107[0] : f32 from vector<1xf32>
      %sub3A_109 = arith.constant 2.000000e-02 : f32
      %sub3A_110 = arith.subf %sub3A_109, %squeeze3A_106 : f32
      %scan3A_111 = arith.constant 0 : i32
      %scan3A_112 = arith.constant 256 : i32
      %scan3A_113 = arith.addi %scan3A_111, %scan3A_112 : i32
      %scan3A_114 = arith.constant 1 : i32
      %scan3A_115:2 = scf.for %scan3A_225 = %scan3A_111 to %scan3A_113 step %scan3A_114 iter_args(%scan3A_226 = %scan3A_103#0, %scan3A_227 = %scan3A_103#1) -> (vector<16xf32>, vector<16xf32>)  : i32 {
        %mul3A_228 = arith.constant 16 : i32
        %mul3A_229 = arith.muli %scan3A_225, %mul3A_228 : i32
        %get3A_230 = arith.index_cast %mul3A_229 : i32 to index
        %get3A_231 = tpu.vector_load %arg5[%get3A_230] {strides = array<i32>} : memref<4096xf32, #tpu.memory_space<vmem>>, vector<16xf32>,
        %get3A_232 = vector.shape_cast %get3A_231 : vector<16xf32> to vector<16xf32>
        %mul3A_233 = arith.constant 16 : i32
        %mul3A_234 = arith.muli %scan3A_225, %mul3A_233 : i32
        %get3A_235 = arith.index_cast %mul3A_234 : i32 to index
        %get3A_236 = tpu.vector_load %arg6[%get3A_235] {strides = array<i32>} : memref<4096xf32, #tpu.memory_space<vmem>>, vector<16xf32>,
        %get3A_237 = vector.shape_cast %get3A_236 : vector<16xf32> to vector<16xf32>
        %sub3A_238 = vector.broadcast %squeeze3A_108 : f32 to vector<16xf32>
        %sub3A_239 = arith.subf %sub3A_238, %get3A_237 : vector<16xf32>
        %max3A = arith.constant 0.000000e+00 : f32
        %max3A_240 = vector.broadcast %max3A : f32 to vector<16xf32>
        %max3A_241 = arith.maximumf %sub3A_239, %max3A_240 : vector<16xf32>
        %add3A_242 = vector.broadcast %sub3A_110 : f32 to vector<16xf32>
        %add3A_243 = arith.addf %add3A_242, %get3A_232 : vector<16xf32>
        %max3A_244 = arith.constant 0.000000e+00 : f32
        %max3A_245 = vector.broadcast %max3A_244 : f32 to vector<16xf32>
        %max3A_246 = arith.maximumf %add3A_243, %max3A_245 : vector<16xf32>
        %mul3A_247 = arith.mulf %max3A_246, %max3A_241 : vector<16xf32>
        %add3A_248 = arith.addf %scan3A_226, %mul3A_247 : vector<16xf32>
        %add3A_249 = arith.addf %scan3A_227, %max3A_241 : vector<16xf32>
        scf.yield %add3A_248, %add3A_249 : vector<16xf32>, vector<16xf32>
      }
      %scan3A_116 = arith.constant 256 : i32
      %slice3A_117 = vector.extract_strided_slice %get3A_29 {offsets = [7], sizes = [1], strides = [1]} : vector<16xf32> to vector<1xf32>
      %squeeze3A_118 = vector.extract %slice3A_117[0] : f32 from vector<1xf32>
      %slice3A_119 = vector.extract_strided_slice %get3A_35 {offsets = [7], sizes = [1], strides = [1]} : vector<16xf32> to vector<1xf32>
      %squeeze3A_120 = vector.extract %slice3A_119[0] : f32 from vector<1xf32>
      %sub3A_121 = arith.constant 2.000000e-02 : f32
      %sub3A_122 = arith.subf %sub3A_121, %squeeze3A_118 : f32
      %scan3A_123 = arith.constant 0 : i32
      %scan3A_124 = arith.constant 256 : i32
      %scan3A_125 = arith.addi %scan3A_123, %scan3A_124 : i32
      %scan3A_126 = arith.constant 1 : i32
      %scan3A_127:2 = scf.for %scan3A_225 = %scan3A_123 to %scan3A_125 step %scan3A_126 iter_args(%scan3A_226 = %scan3A_115#0, %scan3A_227 = %scan3A_115#1) -> (vector<16xf32>, vector<16xf32>)  : i32 {
        %mul3A_228 = arith.constant 16 : i32
        %mul3A_229 = arith.muli %scan3A_225, %mul3A_228 : i32
        %get3A_230 = arith.index_cast %mul3A_229 : i32 to index
        %get3A_231 = tpu.vector_load %arg5[%get3A_230] {strides = array<i32>} : memref<4096xf32, #tpu.memory_space<vmem>>, vector<16xf32>,
        %get3A_232 = vector.shape_cast %get3A_231 : vector<16xf32> to vector<16xf32>
        %mul3A_233 = arith.constant 16 : i32
        %mul3A_234 = arith.muli %scan3A_225, %mul3A_233 : i32
        %get3A_235 = arith.index_cast %mul3A_234 : i32 to index
        %get3A_236 = tpu.vector_load %arg6[%get3A_235] {strides = array<i32>} : memref<4096xf32, #tpu.memory_space<vmem>>, vector<16xf32>,
        %get3A_237 = vector.shape_cast %get3A_236 : vector<16xf32> to vector<16xf32>
        %sub3A_238 = vector.broadcast %squeeze3A_120 : f32 to vector<16xf32>
        %sub3A_239 = arith.subf %sub3A_238, %get3A_237 : vector<16xf32>
        %max3A = arith.constant 0.000000e+00 : f32
        %max3A_240 = vector.broadcast %max3A : f32 to vector<16xf32>
        %max3A_241 = arith.maximumf %sub3A_239, %max3A_240 : vector<16xf32>
        %add3A_242 = vector.broadcast %sub3A_122 : f32 to vector<16xf32>
        %add3A_243 = arith.addf %add3A_242, %get3A_232 : vector<16xf32>
        %max3A_244 = arith.constant 0.000000e+00 : f32
        %max3A_245 = vector.broadcast %max3A_244 : f32 to vector<16xf32>
        %max3A_246 = arith.maximumf %add3A_243, %max3A_245 : vector<16xf32>
        %mul3A_247 = arith.mulf %max3A_246, %max3A_241 : vector<16xf32>
        %add3A_248 = arith.addf %scan3A_226, %mul3A_247 : vector<16xf32>
        %add3A_249 = arith.addf %scan3A_227, %max3A_241 : vector<16xf32>
        scf.yield %add3A_248, %add3A_249 : vector<16xf32>, vector<16xf32>
      }
      %scan3A_128 = arith.constant 256 : i32
      %slice3A_129 = vector.extract_strided_slice %get3A_29 {offsets = [8], sizes = [1], strides = [1]} : vector<16xf32> to vector<1xf32>
      %squeeze3A_130 = vector.extract %slice3A_129[0] : f32 from vector<1xf32>
      %slice3A_131 = vector.extract_strided_slice %get3A_35 {offsets = [8], sizes = [1], strides = [1]} : vector<16xf32> to vector<1xf32>
      %squeeze3A_132 = vector.extract %slice3A_131[0] : f32 from vector<1xf32>
      %sub3A_133 = arith.constant 2.000000e-02 : f32
      %sub3A_134 = arith.subf %sub3A_133, %squeeze3A_130 : f32
      %scan3A_135 = arith.constant 0 : i32
      %scan3A_136 = arith.constant 256 : i32
      %scan3A_137 = arith.addi %scan3A_135, %scan3A_136 : i32
      %scan3A_138 = arith.constant 1 : i32
      %scan3A_139:2 = scf.for %scan3A_225 = %scan3A_135 to %scan3A_137 step %scan3A_138 iter_args(%scan3A_226 = %scan3A_127#0, %scan3A_227 = %scan3A_127#1) -> (vector<16xf32>, vector<16xf32>)  : i32 {
        %mul3A_228 = arith.constant 16 : i32
        %mul3A_229 = arith.muli %scan3A_225, %mul3A_228 : i32
        %get3A_230 = arith.index_cast %mul3A_229 : i32 to index
        %get3A_231 = tpu.vector_load %arg5[%get3A_230] {strides = array<i32>} : memref<4096xf32, #tpu.memory_space<vmem>>, vector<16xf32>,
        %get3A_232 = vector.shape_cast %get3A_231 : vector<16xf32> to vector<16xf32>
        %mul3A_233 = arith.constant 16 : i32
        %mul3A_234 = arith.muli %scan3A_225, %mul3A_233 : i32
        %get3A_235 = arith.index_cast %mul3A_234 : i32 to index
        %get3A_236 = tpu.vector_load %arg6[%get3A_235] {strides = array<i32>} : memref<4096xf32, #tpu.memory_space<vmem>>, vector<16xf32>,
        %get3A_237 = vector.shape_cast %get3A_236 : vector<16xf32> to vector<16xf32>
        %sub3A_238 = vector.broadcast %squeeze3A_132 : f32 to vector<16xf32>
        %sub3A_239 = arith.subf %sub3A_238, %get3A_237 : vector<16xf32>
        %max3A = arith.constant 0.000000e+00 : f32
        %max3A_240 = vector.broadcast %max3A : f32 to vector<16xf32>
        %max3A_241 = arith.maximumf %sub3A_239, %max3A_240 : vector<16xf32>
        %add3A_242 = vector.broadcast %sub3A_134 : f32 to vector<16xf32>
        %add3A_243 = arith.addf %add3A_242, %get3A_232 : vector<16xf32>
        %max3A_244 = arith.constant 0.000000e+00 : f32
        %max3A_245 = vector.broadcast %max3A_244 : f32 to vector<16xf32>
        %max3A_246 = arith.maximumf %add3A_243, %max3A_245 : vector<16xf32>
        %mul3A_247 = arith.mulf %max3A_246, %max3A_241 : vector<16xf32>
        %add3A_248 = arith.addf %scan3A_226, %mul3A_247 : vector<16xf32>
        %add3A_249 = arith.addf %scan3A_227, %max3A_241 : vector<16xf32>
        scf.yield %add3A_248, %add3A_249 : vector<16xf32>, vector<16xf32>
      }
      %scan3A_140 = arith.constant 256 : i32
      %slice3A_141 = vector.extract_strided_slice %get3A_29 {offsets = [9], sizes = [1], strides = [1]} : vector<16xf32> to vector<1xf32>
      %squeeze3A_142 = vector.extract %slice3A_141[0] : f32 from vector<1xf32>
      %slice3A_143 = vector.extract_strided_slice %get3A_35 {offsets = [9], sizes = [1], strides = [1]} : vector<16xf32> to vector<1xf32>
      %squeeze3A_144 = vector.extract %slice3A_143[0] : f32 from vector<1xf32>
      %sub3A_145 = arith.constant 2.000000e-02 : f32
      %sub3A_146 = arith.subf %sub3A_145, %squeeze3A_142 : f32
      %scan3A_147 = arith.constant 0 : i32
      %scan3A_148 = arith.constant 256 : i32
      %scan3A_149 = arith.addi %scan3A_147, %scan3A_148 : i32
      %scan3A_150 = arith.constant 1 : i32
      %scan3A_151:2 = scf.for %scan3A_225 = %scan3A_147 to %scan3A_149 step %scan3A_150 iter_args(%scan3A_226 = %scan3A_139#0, %scan3A_227 = %scan3A_139#1) -> (vector<16xf32>, vector<16xf32>)  : i32 {
        %mul3A_228 = arith.constant 16 : i32
        %mul3A_229 = arith.muli %scan3A_225, %mul3A_228 : i32
        %get3A_230 = arith.index_cast %mul3A_229 : i32 to index
        %get3A_231 = tpu.vector_load %arg5[%get3A_230] {strides = array<i32>} : memref<4096xf32, #tpu.memory_space<vmem>>, vector<16xf32>,
        %get3A_232 = vector.shape_cast %get3A_231 : vector<16xf32> to vector<16xf32>
        %mul3A_233 = arith.constant 16 : i32
        %mul3A_234 = arith.muli %scan3A_225, %mul3A_233 : i32
        %get3A_235 = arith.index_cast %mul3A_234 : i32 to index
        %get3A_236 = tpu.vector_load %arg6[%get3A_235] {strides = array<i32>} : memref<4096xf32, #tpu.memory_space<vmem>>, vector<16xf32>,
        %get3A_237 = vector.shape_cast %get3A_236 : vector<16xf32> to vector<16xf32>
        %sub3A_238 = vector.broadcast %squeeze3A_144 : f32 to vector<16xf32>
        %sub3A_239 = arith.subf %sub3A_238, %get3A_237 : vector<16xf32>
        %max3A = arith.constant 0.000000e+00 : f32
        %max3A_240 = vector.broadcast %max3A : f32 to vector<16xf32>
        %max3A_241 = arith.maximumf %sub3A_239, %max3A_240 : vector<16xf32>
        %add3A_242 = vector.broadcast %sub3A_146 : f32 to vector<16xf32>
        %add3A_243 = arith.addf %add3A_242, %get3A_232 : vector<16xf32>
        %max3A_244 = arith.constant 0.000000e+00 : f32
        %max3A_245 = vector.broadcast %max3A_244 : f32 to vector<16xf32>
        %max3A_246 = arith.maximumf %add3A_243, %max3A_245 : vector<16xf32>
        %mul3A_247 = arith.mulf %max3A_246, %max3A_241 : vector<16xf32>
        %add3A_248 = arith.addf %scan3A_226, %mul3A_247 : vector<16xf32>
        %add3A_249 = arith.addf %scan3A_227, %max3A_241 : vector<16xf32>
        scf.yield %add3A_248, %add3A_249 : vector<16xf32>, vector<16xf32>
      }
      %scan3A_152 = arith.constant 256 : i32
      %slice3A_153 = vector.extract_strided_slice %get3A_29 {offsets = [10], sizes = [1], strides = [1]} : vector<16xf32> to vector<1xf32>
      %squeeze3A_154 = vector.extract %slice3A_153[0] : f32 from vector<1xf32>
      %slice3A_155 = vector.extract_strided_slice %get3A_35 {offsets = [10], sizes = [1], strides = [1]} : vector<16xf32> to vector<1xf32>
      %squeeze3A_156 = vector.extract %slice3A_155[0] : f32 from vector<1xf32>
      %sub3A_157 = arith.constant 2.000000e-02 : f32
      %sub3A_158 = arith.subf %sub3A_157, %squeeze3A_154 : f32
      %scan3A_159 = arith.constant 0 : i32
      %scan3A_160 = arith.constant 256 : i32
      %scan3A_161 = arith.addi %scan3A_159, %scan3A_160 : i32
      %scan3A_162 = arith.constant 1 : i32
      %scan3A_163:2 = scf.for %scan3A_225 = %scan3A_159 to %scan3A_161 step %scan3A_162 iter_args(%scan3A_226 = %scan3A_151#0, %scan3A_227 = %scan3A_151#1) -> (vector<16xf32>, vector<16xf32>)  : i32 {
        %mul3A_228 = arith.constant 16 : i32
        %mul3A_229 = arith.muli %scan3A_225, %mul3A_228 : i32
        %get3A_230 = arith.index_cast %mul3A_229 : i32 to index
        %get3A_231 = tpu.vector_load %arg5[%get3A_230] {strides = array<i32>} : memref<4096xf32, #tpu.memory_space<vmem>>, vector<16xf32>,
        %get3A_232 = vector.shape_cast %get3A_231 : vector<16xf32> to vector<16xf32>
        %mul3A_233 = arith.constant 16 : i32
        %mul3A_234 = arith.muli %scan3A_225, %mul3A_233 : i32
        %get3A_235 = arith.index_cast %mul3A_234 : i32 to index
        %get3A_236 = tpu.vector_load %arg6[%get3A_235] {strides = array<i32>} : memref<4096xf32, #tpu.memory_space<vmem>>, vector<16xf32>,
        %get3A_237 = vector.shape_cast %get3A_236 : vector<16xf32> to vector<16xf32>
        %sub3A_238 = vector.broadcast %squeeze3A_156 : f32 to vector<16xf32>
        %sub3A_239 = arith.subf %sub3A_238, %get3A_237 : vector<16xf32>
        %max3A = arith.constant 0.000000e+00 : f32
        %max3A_240 = vector.broadcast %max3A : f32 to vector<16xf32>
        %max3A_241 = arith.maximumf %sub3A_239, %max3A_240 : vector<16xf32>
        %add3A_242 = vector.broadcast %sub3A_158 : f32 to vector<16xf32>
        %add3A_243 = arith.addf %add3A_242, %get3A_232 : vector<16xf32>
        %max3A_244 = arith.constant 0.000000e+00 : f32
        %max3A_245 = vector.broadcast %max3A_244 : f32 to vector<16xf32>
        %max3A_246 = arith.maximumf %add3A_243, %max3A_245 : vector<16xf32>
        %mul3A_247 = arith.mulf %max3A_246, %max3A_241 : vector<16xf32>
        %add3A_248 = arith.addf %scan3A_226, %mul3A_247 : vector<16xf32>
        %add3A_249 = arith.addf %scan3A_227, %max3A_241 : vector<16xf32>
        scf.yield %add3A_248, %add3A_249 : vector<16xf32>, vector<16xf32>
      }
      %scan3A_164 = arith.constant 256 : i32
      %slice3A_165 = vector.extract_strided_slice %get3A_29 {offsets = [11], sizes = [1], strides = [1]} : vector<16xf32> to vector<1xf32>
      %squeeze3A_166 = vector.extract %slice3A_165[0] : f32 from vector<1xf32>
      %slice3A_167 = vector.extract_strided_slice %get3A_35 {offsets = [11], sizes = [1], strides = [1]} : vector<16xf32> to vector<1xf32>
      %squeeze3A_168 = vector.extract %slice3A_167[0] : f32 from vector<1xf32>
      %sub3A_169 = arith.constant 2.000000e-02 : f32
      %sub3A_170 = arith.subf %sub3A_169, %squeeze3A_166 : f32
      %scan3A_171 = arith.constant 0 : i32
      %scan3A_172 = arith.constant 256 : i32
      %scan3A_173 = arith.addi %scan3A_171, %scan3A_172 : i32
      %scan3A_174 = arith.constant 1 : i32
      %scan3A_175:2 = scf.for %scan3A_225 = %scan3A_171 to %scan3A_173 step %scan3A_174 iter_args(%scan3A_226 = %scan3A_163#0, %scan3A_227 = %scan3A_163#1) -> (vector<16xf32>, vector<16xf32>)  : i32 {
        %mul3A_228 = arith.constant 16 : i32
        %mul3A_229 = arith.muli %scan3A_225, %mul3A_228 : i32
        %get3A_230 = arith.index_cast %mul3A_229 : i32 to index
        %get3A_231 = tpu.vector_load %arg5[%get3A_230] {strides = array<i32>} : memref<4096xf32, #tpu.memory_space<vmem>>, vector<16xf32>,
        %get3A_232 = vector.shape_cast %get3A_231 : vector<16xf32> to vector<16xf32>
        %mul3A_233 = arith.constant 16 : i32
        %mul3A_234 = arith.muli %scan3A_225, %mul3A_233 : i32
        %get3A_235 = arith.index_cast %mul3A_234 : i32 to index
        %get3A_236 = tpu.vector_load %arg6[%get3A_235] {strides = array<i32>} : memref<4096xf32, #tpu.memory_space<vmem>>, vector<16xf32>,
        %get3A_237 = vector.shape_cast %get3A_236 : vector<16xf32> to vector<16xf32>
        %sub3A_238 = vector.broadcast %squeeze3A_168 : f32 to vector<16xf32>
        %sub3A_239 = arith.subf %sub3A_238, %get3A_237 : vector<16xf32>
        %max3A = arith.constant 0.000000e+00 : f32
        %max3A_240 = vector.broadcast %max3A : f32 to vector<16xf32>
        %max3A_241 = arith.maximumf %sub3A_239, %max3A_240 : vector<16xf32>
        %add3A_242 = vector.broadcast %sub3A_170 : f32 to vector<16xf32>
        %add3A_243 = arith.addf %add3A_242, %get3A_232 : vector<16xf32>
        %max3A_244 = arith.constant 0.000000e+00 : f32
        %max3A_245 = vector.broadcast %max3A_244 : f32 to vector<16xf32>
        %max3A_246 = arith.maximumf %add3A_243, %max3A_245 : vector<16xf32>
        %mul3A_247 = arith.mulf %max3A_246, %max3A_241 : vector<16xf32>
        %add3A_248 = arith.addf %scan3A_226, %mul3A_247 : vector<16xf32>
        %add3A_249 = arith.addf %scan3A_227, %max3A_241 : vector<16xf32>
        scf.yield %add3A_248, %add3A_249 : vector<16xf32>, vector<16xf32>
      }
      %scan3A_176 = arith.constant 256 : i32
      %slice3A_177 = vector.extract_strided_slice %get3A_29 {offsets = [12], sizes = [1], strides = [1]} : vector<16xf32> to vector<1xf32>
      %squeeze3A_178 = vector.extract %slice3A_177[0] : f32 from vector<1xf32>
      %slice3A_179 = vector.extract_strided_slice %get3A_35 {offsets = [12], sizes = [1], strides = [1]} : vector<16xf32> to vector<1xf32>
      %squeeze3A_180 = vector.extract %slice3A_179[0] : f32 from vector<1xf32>
      %sub3A_181 = arith.constant 2.000000e-02 : f32
      %sub3A_182 = arith.subf %sub3A_181, %squeeze3A_178 : f32
      %scan3A_183 = arith.constant 0 : i32
      %scan3A_184 = arith.constant 256 : i32
      %scan3A_185 = arith.addi %scan3A_183, %scan3A_184 : i32
      %scan3A_186 = arith.constant 1 : i32
      %scan3A_187:2 = scf.for %scan3A_225 = %scan3A_183 to %scan3A_185 step %scan3A_186 iter_args(%scan3A_226 = %scan3A_175#0, %scan3A_227 = %scan3A_175#1) -> (vector<16xf32>, vector<16xf32>)  : i32 {
        %mul3A_228 = arith.constant 16 : i32
        %mul3A_229 = arith.muli %scan3A_225, %mul3A_228 : i32
        %get3A_230 = arith.index_cast %mul3A_229 : i32 to index
        %get3A_231 = tpu.vector_load %arg5[%get3A_230] {strides = array<i32>} : memref<4096xf32, #tpu.memory_space<vmem>>, vector<16xf32>,
        %get3A_232 = vector.shape_cast %get3A_231 : vector<16xf32> to vector<16xf32>
        %mul3A_233 = arith.constant 16 : i32
        %mul3A_234 = arith.muli %scan3A_225, %mul3A_233 : i32
        %get3A_235 = arith.index_cast %mul3A_234 : i32 to index
        %get3A_236 = tpu.vector_load %arg6[%get3A_235] {strides = array<i32>} : memref<4096xf32, #tpu.memory_space<vmem>>, vector<16xf32>,
        %get3A_237 = vector.shape_cast %get3A_236 : vector<16xf32> to vector<16xf32>
        %sub3A_238 = vector.broadcast %squeeze3A_180 : f32 to vector<16xf32>
        %sub3A_239 = arith.subf %sub3A_238, %get3A_237 : vector<16xf32>
        %max3A = arith.constant 0.000000e+00 : f32
        %max3A_240 = vector.broadcast %max3A : f32 to vector<16xf32>
        %max3A_241 = arith.maximumf %sub3A_239, %max3A_240 : vector<16xf32>
        %add3A_242 = vector.broadcast %sub3A_182 : f32 to vector<16xf32>
        %add3A_243 = arith.addf %add3A_242, %get3A_232 : vector<16xf32>
        %max3A_244 = arith.constant 0.000000e+00 : f32
        %max3A_245 = vector.broadcast %max3A_244 : f32 to vector<16xf32>
        %max3A_246 = arith.maximumf %add3A_243, %max3A_245 : vector<16xf32>
        %mul3A_247 = arith.mulf %max3A_246, %max3A_241 : vector<16xf32>
        %add3A_248 = arith.addf %scan3A_226, %mul3A_247 : vector<16xf32>
        %add3A_249 = arith.addf %scan3A_227, %max3A_241 : vector<16xf32>
        scf.yield %add3A_248, %add3A_249 : vector<16xf32>, vector<16xf32>
      }
      %scan3A_188 = arith.constant 256 : i32
      %slice3A_189 = vector.extract_strided_slice %get3A_29 {offsets = [13], sizes = [1], strides = [1]} : vector<16xf32> to vector<1xf32>
      %squeeze3A_190 = vector.extract %slice3A_189[0] : f32 from vector<1xf32>
      %slice3A_191 = vector.extract_strided_slice %get3A_35 {offsets = [13], sizes = [1], strides = [1]} : vector<16xf32> to vector<1xf32>
      %squeeze3A_192 = vector.extract %slice3A_191[0] : f32 from vector<1xf32>
      %sub3A_193 = arith.constant 2.000000e-02 : f32
      %sub3A_194 = arith.subf %sub3A_193, %squeeze3A_190 : f32
      %scan3A_195 = arith.constant 0 : i32
      %scan3A_196 = arith.constant 256 : i32
      %scan3A_197 = arith.addi %scan3A_195, %scan3A_196 : i32
      %scan3A_198 = arith.constant 1 : i32
      %scan3A_199:2 = scf.for %scan3A_225 = %scan3A_195 to %scan3A_197 step %scan3A_198 iter_args(%scan3A_226 = %scan3A_187#0, %scan3A_227 = %scan3A_187#1) -> (vector<16xf32>, vector<16xf32>)  : i32 {
        %mul3A_228 = arith.constant 16 : i32
        %mul3A_229 = arith.muli %scan3A_225, %mul3A_228 : i32
        %get3A_230 = arith.index_cast %mul3A_229 : i32 to index
        %get3A_231 = tpu.vector_load %arg5[%get3A_230] {strides = array<i32>} : memref<4096xf32, #tpu.memory_space<vmem>>, vector<16xf32>,
        %get3A_232 = vector.shape_cast %get3A_231 : vector<16xf32> to vector<16xf32>
        %mul3A_233 = arith.constant 16 : i32
        %mul3A_234 = arith.muli %scan3A_225, %mul3A_233 : i32
        %get3A_235 = arith.index_cast %mul3A_234 : i32 to index
        %get3A_236 = tpu.vector_load %arg6[%get3A_235] {strides = array<i32>} : memref<4096xf32, #tpu.memory_space<vmem>>, vector<16xf32>,
        %get3A_237 = vector.shape_cast %get3A_236 : vector<16xf32> to vector<16xf32>
        %sub3A_238 = vector.broadcast %squeeze3A_192 : f32 to vector<16xf32>
        %sub3A_239 = arith.subf %sub3A_238, %get3A_237 : vector<16xf32>
        %max3A = arith.constant 0.000000e+00 : f32
        %max3A_240 = vector.broadcast %max3A : f32 to vector<16xf32>
        %max3A_241 = arith.maximumf %sub3A_239, %max3A_240 : vector<16xf32>
        %add3A_242 = vector.broadcast %sub3A_194 : f32 to vector<16xf32>
        %add3A_243 = arith.addf %add3A_242, %get3A_232 : vector<16xf32>
        %max3A_244 = arith.constant 0.000000e+00 : f32
        %max3A_245 = vector.broadcast %max3A_244 : f32 to vector<16xf32>
        %max3A_246 = arith.maximumf %add3A_243, %max3A_245 : vector<16xf32>
        %mul3A_247 = arith.mulf %max3A_246, %max3A_241 : vector<16xf32>
        %add3A_248 = arith.addf %scan3A_226, %mul3A_247 : vector<16xf32>
        %add3A_249 = arith.addf %scan3A_227, %max3A_241 : vector<16xf32>
        scf.yield %add3A_248, %add3A_249 : vector<16xf32>, vector<16xf32>
      }
      %scan3A_200 = arith.constant 256 : i32
      %slice3A_201 = vector.extract_strided_slice %get3A_29 {offsets = [14], sizes = [1], strides = [1]} : vector<16xf32> to vector<1xf32>
      %squeeze3A_202 = vector.extract %slice3A_201[0] : f32 from vector<1xf32>
      %slice3A_203 = vector.extract_strided_slice %get3A_35 {offsets = [14], sizes = [1], strides = [1]} : vector<16xf32> to vector<1xf32>
      %squeeze3A_204 = vector.extract %slice3A_203[0] : f32 from vector<1xf32>
      %sub3A_205 = arith.constant 2.000000e-02 : f32
      %sub3A_206 = arith.subf %sub3A_205, %squeeze3A_202 : f32
      %scan3A_207 = arith.constant 0 : i32
      %scan3A_208 = arith.constant 256 : i32
      %scan3A_209 = arith.addi %scan3A_207, %scan3A_208 : i32
      %scan3A_210 = arith.constant 1 : i32
      %scan3A_211:2 = scf.for %scan3A_225 = %scan3A_207 to %scan3A_209 step %scan3A_210 iter_args(%scan3A_226 = %scan3A_199#0, %scan3A_227 = %scan3A_199#1) -> (vector<16xf32>, vector<16xf32>)  : i32 {
        %mul3A_228 = arith.constant 16 : i32
        %mul3A_229 = arith.muli %scan3A_225, %mul3A_228 : i32
        %get3A_230 = arith.index_cast %mul3A_229 : i32 to index
        %get3A_231 = tpu.vector_load %arg5[%get3A_230] {strides = array<i32>} : memref<4096xf32, #tpu.memory_space<vmem>>, vector<16xf32>,
        %get3A_232 = vector.shape_cast %get3A_231 : vector<16xf32> to vector<16xf32>
        %mul3A_233 = arith.constant 16 : i32
        %mul3A_234 = arith.muli %scan3A_225, %mul3A_233 : i32
        %get3A_235 = arith.index_cast %mul3A_234 : i32 to index
        %get3A_236 = tpu.vector_load %arg6[%get3A_235] {strides = array<i32>} : memref<4096xf32, #tpu.memory_space<vmem>>, vector<16xf32>,
        %get3A_237 = vector.shape_cast %get3A_236 : vector<16xf32> to vector<16xf32>
        %sub3A_238 = vector.broadcast %squeeze3A_204 : f32 to vector<16xf32>
        %sub3A_239 = arith.subf %sub3A_238, %get3A_237 : vector<16xf32>
        %max3A = arith.constant 0.000000e+00 : f32
        %max3A_240 = vector.broadcast %max3A : f32 to vector<16xf32>
        %max3A_241 = arith.maximumf %sub3A_239, %max3A_240 : vector<16xf32>
        %add3A_242 = vector.broadcast %sub3A_206 : f32 to vector<16xf32>
        %add3A_243 = arith.addf %add3A_242, %get3A_232 : vector<16xf32>
        %max3A_244 = arith.constant 0.000000e+00 : f32
        %max3A_245 = vector.broadcast %max3A_244 : f32 to vector<16xf32>
        %max3A_246 = arith.maximumf %add3A_243, %max3A_245 : vector<16xf32>
        %mul3A_247 = arith.mulf %max3A_246, %max3A_241 : vector<16xf32>
        %add3A_248 = arith.addf %scan3A_226, %mul3A_247 : vector<16xf32>
        %add3A_249 = arith.addf %scan3A_227, %max3A_241 : vector<16xf32>
        scf.yield %add3A_248, %add3A_249 : vector<16xf32>, vector<16xf32>
      }
      %scan3A_212 = arith.constant 256 : i32
      %slice3A_213 = vector.extract_strided_slice %get3A_29 {offsets = [15], sizes = [1], strides = [1]} : vector<16xf32> to vector<1xf32>
      %squeeze3A_214 = vector.extract %slice3A_213[0] : f32 from vector<1xf32>
      %slice3A_215 = vector.extract_strided_slice %get3A_35 {offsets = [15], sizes = [1], strides = [1]} : vector<16xf32> to vector<1xf32>
      %squeeze3A_216 = vector.extract %slice3A_215[0] : f32 from vector<1xf32>
      %sub3A_217 = arith.constant 2.000000e-02 : f32
      %sub3A_218 = arith.subf %sub3A_217, %squeeze3A_214 : f32
      %scan3A_219 = arith.constant 0 : i32
      %scan3A_220 = arith.constant 256 : i32
      %scan3A_221 = arith.addi %scan3A_219, %scan3A_220 : i32
      %scan3A_222 = arith.constant 1 : i32
      %scan3A_223:2 = scf.for %scan3A_225 = %scan3A_219 to %scan3A_221 step %scan3A_222 iter_args(%scan3A_226 = %scan3A_211#0, %scan3A_227 = %scan3A_211#1) -> (vector<16xf32>, vector<16xf32>)  : i32 {
        %mul3A_228 = arith.constant 16 : i32
        %mul3A_229 = arith.muli %scan3A_225, %mul3A_228 : i32
        %get3A_230 = arith.index_cast %mul3A_229 : i32 to index
        %get3A_231 = tpu.vector_load %arg5[%get3A_230] {strides = array<i32>} : memref<4096xf32, #tpu.memory_space<vmem>>, vector<16xf32>,
        %get3A_232 = vector.shape_cast %get3A_231 : vector<16xf32> to vector<16xf32>
        %mul3A_233 = arith.constant 16 : i32
        %mul3A_234 = arith.muli %scan3A_225, %mul3A_233 : i32
        %get3A_235 = arith.index_cast %mul3A_234 : i32 to index
        %get3A_236 = tpu.vector_load %arg6[%get3A_235] {strides = array<i32>} : memref<4096xf32, #tpu.memory_space<vmem>>, vector<16xf32>,
        %get3A_237 = vector.shape_cast %get3A_236 : vector<16xf32> to vector<16xf32>
        %sub3A_238 = vector.broadcast %squeeze3A_216 : f32 to vector<16xf32>
        %sub3A_239 = arith.subf %sub3A_238, %get3A_237 : vector<16xf32>
        %max3A = arith.constant 0.000000e+00 : f32
        %max3A_240 = vector.broadcast %max3A : f32 to vector<16xf32>
        %max3A_241 = arith.maximumf %sub3A_239, %max3A_240 : vector<16xf32>
        %add3A_242 = vector.broadcast %sub3A_218 : f32 to vector<16xf32>
        %add3A_243 = arith.addf %add3A_242, %get3A_232 : vector<16xf32>
        %max3A_244 = arith.constant 0.000000e+00 : f32
        %max3A_245 = vector.broadcast %max3A_244 : f32 to vector<16xf32>
        %max3A_246 = arith.maximumf %add3A_243, %max3A_245 : vector<16xf32>
        %mul3A_247 = arith.mulf %max3A_246, %max3A_241 : vector<16xf32>
        %add3A_248 = arith.addf %scan3A_226, %mul3A_247 : vector<16xf32>
        %add3A_249 = arith.addf %scan3A_227, %max3A_241 : vector<16xf32>
        scf.yield %add3A_248, %add3A_249 : vector<16xf32>, vector<16xf32>
      }
      %scan3A_224 = arith.constant 256 : i32
      scf.yield %scan3A_223#0, %scan3A_223#1 : vector<16xf32>, vector<16xf32>
    }
    %scan3A_8 = arith.constant 8 : i32
    %swap3A = arith.constant 0 : index
    %swap3A_9 = tpu.vector_load %arg7[%swap3A] {strides = array<i32>} : memref<16xf32, #tpu.memory_space<vmem>>, vector<16xf32>,
    %swap3A_10 = vector.shape_cast %swap3A_9 : vector<16xf32> to vector<16xf32>
    %swap3A_11 = vector.shape_cast %scan3A_7#0 : vector<16xf32> to vector<16xf32>
    tpu.vector_store %arg7[%swap3A], %swap3A_11 {strides = array<i32>} : memref<16xf32, #tpu.memory_space<vmem>>, vector<16xf32>,
    %swap3A_12 = arith.constant 0 : index
    %swap3A_13 = tpu.vector_load %arg8[%swap3A_12] {strides = array<i32>} : memref<16xf32, #tpu.memory_space<vmem>>, vector<16xf32>,
    %swap3A_14 = vector.shape_cast %swap3A_13 : vector<16xf32> to vector<16xf32>
    %swap3A_15 = vector.shape_cast %scan3A_7#1 : vector<16xf32> to vector<16xf32>
    tpu.vector_store %arg8[%swap3A_12], %swap3A_15 {strides = array<i32>} : memref<16xf32, #tpu.memory_space<vmem>>, vector<16xf32>,
    %mul3A_16 = arith.constant 2 : i32
    %mul3A_17 = arith.muli %mul3A_16, %add3A : i32
    "tpu.region"() ({
      %run_scoped3A = tpu.sem_alloc : memref<!tpu.dma_semaphore, #tpu.memory_space<semaphore_mem>>
      %dma_start3A = arith.constant 0 : i32
      %dma_start3A_22 = tpu.memref_slice %arg4[%mul3A_17, %dma_start3A] : memref<64x16xf32, #tpu.memory_space<hbm>> -> memref<1x16xf32, #tpu.memory_space<hbm>>
      %dma_start3A_23 = tpu.memref_squeeze %dma_start3A_22 : memref<1x16xf32, #tpu.memory_space<hbm>> -> memref<16xf32, #tpu.memory_space<hbm>>
      %dma_start3A_24 = arith.constant 0 : i32
      %dma_start3A_25 = tpu.memref_slice %arg4[%mul3A_17, %dma_start3A_24] : memref<64x16xf32, #tpu.memory_space<hbm>> -> memref<1x16xf32, #tpu.memory_space<hbm>>
      %dma_start3A_26 = tpu.memref_squeeze %dma_start3A_25 : memref<1x16xf32, #tpu.memory_space<hbm>> -> memref<16xf32, #tpu.memory_space<hbm>>
      tpu.enqueue_dma source(%arg7 : memref<16xf32, #tpu.memory_space<vmem>>) target(%dma_start3A_26 : memref<16xf32, #tpu.memory_space<hbm>>) target_semaphore(%run_scoped3A : memref<!tpu.dma_semaphore, #tpu.memory_space<semaphore_mem>>)
      %dma_wait3A = arith.constant 0 : i32
      %dma_wait3A_27 = tpu.memref_slice %arg4[%mul3A_17, %dma_wait3A] : memref<64x16xf32, #tpu.memory_space<hbm>> -> memref<1x16xf32, #tpu.memory_space<hbm>>
      %dma_wait3A_28 = tpu.memref_squeeze %dma_wait3A_27 : memref<1x16xf32, #tpu.memory_space<hbm>> -> memref<16xf32, #tpu.memory_space<hbm>>
      %dma_wait3A_29 = arith.constant 0 : i32
      %dma_wait3A_30 = tpu.memref_slice %arg4[%mul3A_17, %dma_wait3A_29] : memref<64x16xf32, #tpu.memory_space<hbm>> -> memref<1x16xf32, #tpu.memory_space<hbm>>
      %dma_wait3A_31 = tpu.memref_squeeze %dma_wait3A_30 : memref<1x16xf32, #tpu.memory_space<hbm>> -> memref<16xf32, #tpu.memory_space<hbm>>
      tpu.wait_dma2 semaphore(%run_scoped3A : memref<!tpu.dma_semaphore, #tpu.memory_space<semaphore_mem>>) src(%arg7 : memref<16xf32, #tpu.memory_space<vmem>>) dst(%dma_wait3A_31 : memref<16xf32, #tpu.memory_space<hbm>>)
      tpu.yield
    }) : () -> ()
    %mul3A_18 = arith.constant 2 : i32
    %mul3A_19 = arith.muli %mul3A_18, %add3A : i32
    %add3A_20 = arith.constant 1 : i32
    %add3A_21 = arith.addi %mul3A_19, %add3A_20 : i32
    "tpu.region"() ({
      %run_scoped3A = tpu.sem_alloc : memref<!tpu.dma_semaphore, #tpu.memory_space<semaphore_mem>>
      %dma_start3A = arith.constant 0 : i32
      %dma_start3A_22 = tpu.memref_slice %arg4[%add3A_21, %dma_start3A] : memref<64x16xf32, #tpu.memory_space<hbm>> -> memref<1x16xf32, #tpu.memory_space<hbm>>
      %dma_start3A_23 = tpu.memref_squeeze %dma_start3A_22 : memref<1x16xf32, #tpu.memory_space<hbm>> -> memref<16xf32, #tpu.memory_space<hbm>>
      %dma_start3A_24 = arith.constant 0 : i32
      %dma_start3A_25 = tpu.memref_slice %arg4[%add3A_21, %dma_start3A_24] : memref<64x16xf32, #tpu.memory_space<hbm>> -> memref<1x16xf32, #tpu.memory_space<hbm>>
      %dma_start3A_26 = tpu.memref_squeeze %dma_start3A_25 : memref<1x16xf32, #tpu.memory_space<hbm>> -> memref<16xf32, #tpu.memory_space<hbm>>
      tpu.enqueue_dma source(%arg8 : memref<16xf32, #tpu.memory_space<vmem>>) target(%dma_start3A_26 : memref<16xf32, #tpu.memory_space<hbm>>) target_semaphore(%run_scoped3A : memref<!tpu.dma_semaphore, #tpu.memory_space<semaphore_mem>>)
      %dma_wait3A = arith.constant 0 : i32
      %dma_wait3A_27 = tpu.memref_slice %arg4[%add3A_21, %dma_wait3A] : memref<64x16xf32, #tpu.memory_space<hbm>> -> memref<1x16xf32, #tpu.memory_space<hbm>>
      %dma_wait3A_28 = tpu.memref_squeeze %dma_wait3A_27 : memref<1x16xf32, #tpu.memory_space<hbm>> -> memref<16xf32, #tpu.memory_space<hbm>>
      %dma_wait3A_29 = arith.constant 0 : i32
      %dma_wait3A_30 = tpu.memref_slice %arg4[%add3A_21, %dma_wait3A_29] : memref<64x16xf32, #tpu.memory_space<hbm>> -> memref<1x16xf32, #tpu.memory_space<hbm>>
      %dma_wait3A_31 = tpu.memref_squeeze %dma_wait3A_30 : memref<1x16xf32, #tpu.memory_space<hbm>> -> memref<16xf32, #tpu.memory_space<hbm>>
      tpu.wait_dma2 semaphore(%run_scoped3A : memref<!tpu.dma_semaphore, #tpu.memory_space<semaphore_mem>>) src(%arg8 : memref<16xf32, #tpu.memory_space<vmem>>) dst(%dma_wait3A_31 : memref<16xf32, #tpu.memory_space<hbm>>)
      tpu.yield
    }) : () -> ()
    return
  }
}

</mosaic_0001>

<sc_bundles>
// kernel: kernel.3.cloned.1.call-start
scs
__scs_entry_jumppad:
0x0: {  	(pc) =	sbr.rel $0x88, $3  }
0x1: {  	(tag) =	ssettag $0x0;
	lr =	simm.s32 $0x1  }
0x2: {  	[smem:$0x3F9F] =	sst lr;
	_ =	strace $0xD0000000  }
0x3: {  	_ = 	snop  }
0x4: {  	_ = 	snop  }
0x5: {  	_ = 	snop  }
0x6: {  	_ = 	snop  }
0x7: {  	_ = 	snop  }
__scs_overlays_trampoline_lowered:
0x8: {  	[smem:$0x3FAE] =	sst s0  }
0x9: {  	[smem:$0x3FAF] =	sst s1  }
0xa: {  	[smem:$0x3FB0] =	sst s2  }
0xb: {  	[smem:$0x3FB1] =	sst s3  }
0xc: {  	[smem:$0x3FB2] =	sst s4  }
0xd: {  	[smem:$0x3FB3] =	sst s5  }
0xe: {  	[smem:$0x3FB4] =	sst s6  }
0xf: {  	[smem:$0x3FB5] =	sst s7  }
0x10: {  	[smem:$0x3FB6] =	sst s8  }
0x11: {  	[smem:$0x3FB7] =	sst s9;
	s0 =	simm.s32 @!p0 $0x0  }
0x12: {  	s1 =	sld [smem:$0x3F9D];
	s0 =	simm.s32 @p0 $0x1  }
0x13: {  	[smem:$0x3FB8] =	sst s0;
	s0 =	simm.s32 @!p1 $0x0  }
0x14: {  	s2 =	sld [smem:$0x3F9C];
	s0 =	simm.s32 @p1 $0x1  }
0x15: {  	[smem:$0x3FB9] =	sst s0;
	s0 =	simm.s32 @!p2 $0x0  }
0x16: {  	s3 =	sld [smem:$0x3FDB];
	s0 =	simm.s32 @p2 $0x1  }
0x17: {  	s4 =	simm.s32 $0x1BF5;
	[smem:$0x3FBB] =	sst s0  }
0x18: {  	s0 =	sld [smem:$0x3F9E];
	_ =	swait.ge [sflag:s4], $0x0  }
0x19: {  	s7 =	sld [smem:$0x3F9F]  }
0x1a: {  	s8 =	sadd.s32 $0xFFFFE003, lr  }
0x1b: {  	s9 =	sadd.s32 $0xFFFFFEF7, lr;
	s5 =	simm.s32 $0xFFFFFFFF;
	p2 =	slt.u32 s8, $0xFFFFF086  }
0x1c: {  	p1 =	slt.u32 s9, $0xF7A;
	s5 =	simm.s32 @!p2 $0x0  }
0x1d: {  	s5 =	simm.s32 @p1 $0x1;
	p0 =	seq.s32 s7, s2  }
0x1e: {  	s7 =	smul.u32 @!p0 $0xF7A, s2;
	p2 =	seq.s32 @!p0 s5, $0x0  }
0x1f: {  	s9 =	smul.u32 $0xF7A, s1;
	s8 =	simm.s32 @!p0 $0x1BF5;
	p2 =	por !p2, p0  }
0x20: {  	[sflag:s8] =	ssyncset.s32 @!p0 $0xFFFFF086;
	s6 =	sadd.s32 @!p0 s3, s7;
	s7 =	simm.s32 @!p0 $0x108  }
0x21: {  	s3 =	sadd.s32 s3, s9;
	s6 =	sadd.s32 @!p0 $0x88, s6;
	s7 =	simm.s32 @p2 $0x1082  }
0x22: {  	[simem:s7], [sflag:s8] =	dma.local @!p0 [hbm:s6], $0xF7A  }
0x23: {  	s9 =	sor.u32 $0xD0000000, s2;
	s6 =	simm.s32 $0x108;
	_ =	swait.ge @!p0 [sflag:s8], $0x0  }
0x24: {  	s3 =	sadd.s32 $0x88, s3;
	s6 =	simm.s32 @!p1 $0x1082;
	[sflag:s4] =	ssyncset.s32 $0xFFFFF086  }
0x25: {  	[simem:s6], [sflag:s4] =	dma.local [hbm:s3], $0xF7A  }
0x26: {  	[smem:$0x3F9F] =	sst s1;
	(tag) =	ssettag s2;
	_ =	strace s9  }
0x27: {  	s1 =	sld [smem:$0x3FAF]  }
0x28: {  	s2 =	sld [smem:$0x3FB0]  }
0x29: {  	s4 =	sld [smem:$0x3FB2]  }
0x2a: {  	p0 =	seq.s32 s5, $0x0;
	s5 =	sld [smem:$0x3FB3]  }
0x2b: {  	s6 =	sld [smem:$0x3FB4]  }
0x2c: {  	s7 =	sld [smem:$0x3FB5]  }
0x2d: {  	s3 =	simm.s32 $0x108;
	s8 =	sld [smem:$0x3FB6]  }
0x2e: {  	s3 =	simm.s32 @!p0 $0x1082;
	s9 =	sld [smem:$0x3FB7]  }
0x2f: {  	lr =	sadd.s32 s0, s3;
	s0 =	sld [smem:$0x3FAE]  }
0x30: {  	s3 =	sld [smem:$0x3FB1]  }
0x31: {  	[smem:$0x3FBA] =	sst s10  }
0x32: {  	s10 =	sld [smem:$0x3FB8];
	_ =	sdelay $0x3  }
0x33: {  	p0 =	seq.s32 s10, $0x1;
	s10 =	sld [smem:$0x3FBA];
	_ =	sdelay $0x3  }
0x34: {  	[smem:$0x3FBA] =	sst s10  }
0x35: {  	s10 =	sld [smem:$0x3FB9];
	_ =	sdelay $0x3  }
0x36: {  	p1 =	seq.s32 s10, $0x1;
	s10 =	sld [smem:$0x3FBA];
	_ =	sdelay $0x3  }
0x37: {  	[smem:$0x3FBA] =	sst s10  }
0x38: {  	s10 =	sld [smem:$0x3FBB]  }
0x39: {  	_ = 	snop;
	(pc) =	sbr.ind lr, $3  }
0x3a: {  	_ = 	snop  }
0x3b: {  	_ = 	snop  }
0x3c: {  	p2 =	seq.s32 s10, $0x1;
	s10 =	sld [smem:$0x3FBA]  }
0x3d: {  	_ =	shalt  }
0x3e: {  	_ =	shalt  }
0x3f: {  	_ =	shalt  }
0x40: {  	_ =	shalt  }
0x41: {  	_ =	shalt  }
0x42: {  	_ =	shalt  }
0x43: {  	_ =	shalt  }
0x44: {  	_ =	shalt  }
0x45: {  	_ =	shalt  }
0x46: {  	_ =	shalt  }
0x47: {  	_ =	shalt  }
0x48: {  	_ =	shalt  }
0x49: {  	_ =	shalt  }
0x4a: {  	_ =	shalt  }
0x4b: {  	_ =	shalt  }
0x4c: {  	_ =	shalt  }
0x4d: {  	_ =	shalt  }
0x4e: {  	_ =	shalt  }
0x4f: {  	_ =	shalt  }
0x50: {  	_ =	shalt  }
0x51: {  	_ =	shalt  }
0x52: {  	_ =	shalt  }
0x53: {  	_ =	shalt  }
0x54: {  	_ =	shalt  }
0x55: {  	_ =	shalt  }
0x56: {  	_ =	shalt  }
0x57: {  	_ =	shalt  }
0x58: {  	_ =	shalt  }
0x59: {  	_ =	shalt  }
0x5a: {  	_ =	shalt  }
0x5b: {  	_ =	shalt  }
0x5c: {  	_ =	shalt  }
0x5d: {  	_ =	shalt  }
0x5e: {  	_ =	shalt  }
0x5f: {  	_ =	shalt  }
0x60: {  	_ =	shalt  }
0x61: {  	_ =	shalt  }
0x62: {  	_ =	shalt  }
0x63: {  	_ =	shalt  }
0x64: {  	_ =	shalt  }
0x65: {  	_ =	shalt  }
0x66: {  	_ =	shalt  }
0x67: {  	_ =	shalt  }
0x68: {  	_ =	shalt  }
0x69: {  	_ =	shalt  }
0x6a: {  	_ =	shalt  }
0x6b: {  	_ =	shalt  }
0x6c: {  	_ =	shalt  }
0x6d: {  	_ =	shalt  }
0x6e: {  	_ =	shalt  }
0x6f: {  	_ =	shalt  }
0x70: {  	_ =	shalt  }
0x71: {  	_ =	shalt  }
0x72: {  	_ =	shalt  }
0x73: {  	_ =	shalt  }
0x74: {  	_ =	shalt  }
0x75: {  	_ =	shalt  }
0x76: {  	_ =	shalt  }
0x77: {  	_ =	shalt  }
0x78: {  	_ =	shalt  }
0x79: {  	_ =	shalt  }
0x7a: {  	_ =	shalt  }
0x7b: {  	_ =	shalt  }
0x7c: {  	_ =	shalt  }
0x7d: {  	_ =	shalt  }
0x7e: {  	_ =	shalt  }
0x7f: {  	_ =	shalt  }
0x80: {  	_ =	shalt  }
0x81: {  	_ =	shalt  }
0x82: {  	_ =	shalt  }
0x83: {  	_ =	shalt  }
0x84: {  	_ =	shalt  }
0x85: {  	_ =	shalt  }
0x86: {  	_ =	shalt  }
0x87: {  	_ =	shalt  }
.Lfunc_end0:
.L_simem_size_0:
called_computation_lowered:
.L_overlay_start_0:
0x88: {  	s2 =	sld [smem:$0x3FD9]  }
0x89: {  	s3 =	sld [smem:$0x3FFE];
	_ =	sdelay $0x1  }
0x8a: {  	s1 =	srdreg.scid  }
0x8b: {  	s0 =	sand.u32 $0x1, s1  }
0x8c: {  	s17 =	sshll.u32 s0, $0xA;
	s2 =	sadd.s32 s3, s2  }
0x8d: {  	s2 =	sadd.s32 s2, s17  }
0x8e: {  	[smem:$0x3FC6] =	sst s2  }
0x8f: {  	_ = 	snop  }
0x90: {  	s2 =	sld [smem:$0x3FC9]  }
0x91: {  	s18 =	sld [smem:$0x3FC8];
	(tm) =	ssettm $0x1  }
0x92: {  	s4 =	sld [smem:$0x3FFB];
	_ =	sdelay $0x3  }
0x93: {  	_ =	strace s4  }
0x94: {  	s4 =	sld [smem:$0x3FFC];
	_ =	sdelay $0x3  }
0x95: {  	_ =	strace s4  }
0x96: {  	s4 =	sld [smem:$0x3FFD];
	_ =	sdelay $0x3  }
0x97: {  	_ =	strace s4  }
0x98: {  	_ =	strace $0x8FFFFFFF  }
0x99: {  	s19 =	sld [smem:$0x3FDB];
	_ =	sdelay $0x1  }
0x9a: {  	s5 =	simm.s32 $_scs_section_size  }
0x9b: {  	s6 =	simm.s32 $_size__tile_overlayer_lowered;
	s7 =	simm.s32 $_tile_overlayer_lowered  }
0x9c: {  	s22 =	simm.s32 $0x1BFF;
	s21 =	sshll.u32 s7, $0x1;
	s4 =	sadd.s32 s5, s19  }
0x9d: {  	s8 =	simm.s32 $0x0;
	s20 =	sshll.u32 s6, $0x1;
	s6 =	sadd.s32 s21, s4  }
0x9e: {  	[timem:s8], [sflag:s22] =	dma.local [hbm:s6], s20  }
0x9f: {  	_ =	swait.ge [sflag:s22], s20  }
0xa0: {  	s5 =	ssub.s32 $0x0, s20;
	[sflag:s22] =	ssyncset.done $0x0  }
0xa1: {  	[sflag:s22] =	ssyncadd.s32 s5;
	_ =	sdelay $0x1  }
0xa2: {  	s23 =	simm.s32 $0x1B8B  }
0xa3: {  	_ =	swait.ge [sflag:s23], $0x1  }
0xa4: {  	[sflag:s23] =	ssyncset.done $0x0  }
0xa5: {  	s25 =	simm.s32 $0x1B8E;
	s24 =	sld [smem:$0x3FFE];
	[sflag:s23] =	ssyncadd.s32 $0xFFFFFFFF  }
0xa6: {  	s26 =	simm.s32 $execute0_lowered;
	[smem:$0x3FD2] =	sst s25  }
0xa7: {  	s6 =	sshll.u32 s26, $0x1;
	_ =	strace $0x80000046;
	[dreg:$0x1] =	wrdreg $0xFFFFFFFF  }
0xa8: {  	s28 =	simm.s32 $_size_execute0_lowered;
	s4 =	sadd.s32 s4, s6;
	[dreg:$0x0] =	wrdreg $0x0  }
0xa9: {  	s6 =	sshll.u32 s28, $0x1;
	[dreg:$0x2] =	wrdreg s4  }
0xaa: {  	[dreg:$0x3] =	wrdreg s6  }
0xab: {  	[dreg:$0x4] =	wrdreg $0xC0  }
0xac: {  	_ =	task [dreg:s8], $0x5FFFF  }
0xad: {  	[dreg:$0x1] =	wrdreg $0xFFFFFFFF  }
0xae: {  	[dreg:$0x0] =	wrdreg $0x60  }
0xaf: {  	[dreg:$0x2] =	wrdreg s2  }
0xb0: {  	[dreg:$0x3] =	wrdreg s18  }
0xb1: {  	[dreg:$0x4] =	wrdreg s24  }
0xb2: {  	[dreg:$0x5] =	wrdreg $0x9  }
0xb3: {  	_ =	task.clear_ibuf [dreg:s8], $0x6FFFF;
	_ =	strace $0x90000046  }
0xb4: {  	s29 =	simm.s32 $0x9;
	_ =	strace $0x80000048  }
0xb5: {  	_ =	swait.ge [sflag:s29], $0x1  }
0xb6: {  	[sflag:s29] =	ssyncadd.s32 $0xFFFFFFFF  }
0xb7: {  	_ =	strace $0x90000048  }
0xb8: {  	_ =	sfence  }
0xb9: {  	s30 =	sld [smem:$0x0];
	_ =	sdelay $0x2  }
0xba: {  	s31 =	sshll.u32 s1, $0xD;
	s1 =	sshrl.u32 s1, $0x2  }
0xbb: {  	s3 =	sand.u32 $0x4000, s31;
	s1 =	sadd.s32 s1, s30  }
0xbc: {  	s0 =	sor.u32 s3, s0;
	s1 =	sshll.u32 s1, $0x11  }
0xbd: {  	s0 =	sor.u32 s1, s0  }
0xbe: {  	s0 =	sadd.s32 $0x8F2B, s0  }
0xbf: {  	[sflag:s0] =	ssyncadd.remote.s32 $0x1  }
0xc0: {  	_ =	sfence.sel $0xFFFF  }
0xc1: {  	[dreg:$0x0] =	wrdreg $0xFFFFFFFF;
	(pc) =	sbr.abs _section_cstart, $3  }
0xc2: {  	[dreg:$0x1] =	wrdreg $0xFFFFFFFF  }
0xc3: {  	_ =	task.clear_ibuf [dreg:s8], $0x2FFFF;
	_ =	strace $0x9FFFFFFF  }
0xc4: {  	(tm) =	ssettm $0x7FFFFFFF  }
0xc5: {  	_ =	shalt  }
tec
execute0_lowered:
.L_overlay_start_1:
0x0: {  	(tag) =	ssettag $0x1  }
0x1: {  	s1 =	rddreg [dreg:$0x0]  }
0x2: {  	s3 =	rddreg [dreg:$0x1]  }
0x3: {  	s2 =	srdreg.scid;
	s0 =	stileid.u32  }
0x4: {  	s5 =	rddreg [dreg:$0x2];
	s4 =	simm.s32 $0x0;
	s10 =	simm.s32 $0x2000  }
0x5: {  	s6 =	sand.u32 $0x1, s2;
	s7 =	sshll.u32 s0, $0x1;
	s2 =	rddreg [dreg:$0x3]  }
0x6: {  	s11 =	simm.s32 $0x2080;
	[smem:$0x7FF] =	sst s4;
	s7 =	sor.u32 s6, s7  }
0x7: {  	s6 =	ssub.s32 $0x2, s6;
	_ =	strace $0x80000047;
	s8 =	sshll.u32 s7, $0x5  }
0x8: {  	s9 =	sshrl.u32 s6, $0x1;
	s12 =	sshll.u32 s7, $0x7;
	s5 =	sadd.s32 s5, s8  }
0x9: {  	s31 =	ssub.s32 s6, s9;
	s8 =	simm.s32 $0x1;
	s9 =	simm.s32 $0x1000  }
0xa: {  	v0 =	vmov s12;
	s12 =	simm.s32 $0x0;
	s6 =	sadd.s32 $0x10, s5;
	s7 =	smax.u32 s31, $0x1  }
.LBB2_1:
0xb: {  	[tilespmem:s4], [sflag:$0x1] =	stream.linear.gather [hbm4b:s1+s4], $0x1000, $0x38;
	[tilespmem:$0x2100] =	vst v63  }
0xc: {  	_ =	swait.ge [sflag:s8], $0x1000  }
0xd: {  	[sflag:s8] =	ssyncset.done $0x0  }
0xe: {  	[sflag:s8] =	ssyncadd.s32 $0xFFFFF000  }
0xf: {  	[tilespmem:s9], [sflag:$0x1] =	stream.linear.gather [hbm4b:s3+s4], $0x1000, $0x38;
	[tilespmem:$0x2100] =	vst v63  }
0x10: {  	_ =	swait.ge [sflag:s8], $0x1000  }
0x11: {  	[sflag:s8] =	ssyncset.done $0x0  }
0x12: {  	v6 =	vimm.f32 $0.0e+00;
	v3 =	vimm.f32 $0.0e+00;
	s13 =	simm.s32 $0x0;
	[sflag:s8] =	ssyncadd.s32 $0xFFFFF000  }
.LBB2_2:
0x13: {  	_ =	sdelay $0x2  }
0x14: {  	s14 =	sshll.u32 s13, $0x4  }
0x15: {  	v2 =	vld.idx.msk [tilespmem:v0+s14+$0x0 ss:$0x1], $0xffff;
	_ =	sdelay $0x4  }
0x16: {  	(v2sf) =	vpush v2, $0x0;
	_ =	sdelay $0x9  }
0x17: {  	v1 =	vld.idx.msk [tilespmem:v0+s14+$0x1000 ss:$0x1], $0xffff  }
0x18: {  	s30 =	simm.s32 $0x0  }
0x19: {  	v8 =	vld [tilespmem:s30+$0x1000];
	_ =	sdelay $0x1  }
0x1a: {  	v7 =	vld [tilespmem:s30+$0x0]  }
0x1b: {  	v5 =	vbroadcast v1, $0x0;
	s31 =	spop (v2sf)  }
0x1c: {  	s14 =	ssub.f32 $1.999999960e-02, s31  }
0x1d: {  	v8 =	vsub.f32 v5, v8  }
0x1e: {  	s15 =	simm.s32 $0x10;
	v4 =	vmov s14  }
0x1f: {  	v10 =	vmax.f32 v8, $0.0e+00;
	v8 =	vld [tilespmem:s15+$0x1000];
	v9 =	vadd.f32 v7, v4  }
0x20: {  	v7 =	vld [tilespmem:s15+$0x0]  }
0x21: {  	v9 =	vmax.f32 v9, $0.0e+00  }
0x22: {  	v6 =	vadd.f32 v10, v6;
	s14 =	simm.s32 $0x80;
	v9 =	vmul.f32 v10, v9  }
.LBB2_3:
0x23: {  	p0 =	sne.s32 s14, $0x3FC0  }
.Ltmp0:
0x24: {  	s15 =	sshra.s32 s14, $0x2;
	v3 =	vadd.f32 v9, v3;
	(pc) =	sbr.rel @p0 .LBB2_3-.Ltmp0, $4  }
0x25: {  	s14 =	sadd.s32 $0x40, s14;
	v10 =	vadd.f32 v7, v4;
	v9 =	vsub.f32 v5, v8;
	v7 =	vld [tilespmem:s15+$0x0]  }
0x26: {  	v8 =	vld [tilespmem:s15+$0x1000]  }
0x27: {  	v11 =	vmax.f32 v9, $0.0e+00;
	v9 =	vmax.f32 v10, $0.0e+00  }
0x28: {  	v9 =	vmul.f32 v11, v9;
	v6 =	vadd.f32 v11, v6  }
0x29: {  	(v2sf) =	vpush v2, $0x1;
	_ =	sdelay $0xb  }
0x2a: {  	s14 =	simm.s32 $0x0  }
0x2b: {  	v10 =	vld [tilespmem:s14+$0x0]  }
0x2c: {  	v11 =	vld [tilespmem:s14+$0x1000]  }
0x2d: {  	s31 =	spop (v2sf)  }
0x2e: {  	v5 =	vsub.f32 v5, v8;
	s14 =	ssub.f32 $1.999999960e-02, s31  }
0x2f: {  	v7 =	vadd.f32 v7, v4;
	v4 =	vbroadcast v1, $0x1  }
0x30: {  	s15 =	simm.s32 $0x10;
	v9 =	vadd.f32 v9, v3;
	v8 =	vmax.f32 v5, $0.0e+00;
	v5 =	vmov s14  }
0x31: {  	v3 =	vld [tilespmem:s15+$0x0];
	v7 =	vmax.f32 v7, $0.0e+00;
	v11 =	vsub.f32 v4, v11;
	v10 =	vadd.f32 v10, v5  }
0x32: {  	v7 =	vmul.f32 v8, v7;
	v12 =	vadd.f32 v8, v6;
	v8 =	vld [tilespmem:s15+$0x1000]  }
0x33: {  	v11 =	vmax.f32 v11, $0.0e+00;
	v10 =	vmax.f32 v10, $0.0e+00  }
0x34: {  	v6 =	vadd.f32 v7, v9;
	v7 =	vadd.f32 v11, v12;
	s14 =	simm.s32 $0x80;
	v9 =	vmul.f32 v11, v10  }
.LBB2_5:
0x35: {  	p0 =	sne.s32 s14, $0x3FC0  }
.Ltmp1:
0x36: {  	s15 =	sshra.s32 s14, $0x2;
	v6 =	vadd.f32 v9, v6;
	(pc) =	sbr.rel @p0 .LBB2_5-.Ltmp1, $4  }
0x37: {  	s14 =	sadd.s32 $0x40, s14;
	v10 =	vadd.f32 v3, v5;
	v9 =	vsub.f32 v4, v8;
	v3 =	vld [tilespmem:s15+$0x0]  }
0x38: {  	v8 =	vld [tilespmem:s15+$0x1000]  }
0x39: {  	v11 =	vmax.f32 v9, $0.0e+00;
	v9 =	vmax.f32 v10, $0.0e+00  }
0x3a: {  	v9 =	vmul.f32 v11, v9;
	v7 =	vadd.f32 v11, v7  }
0x3b: {  	(v2sf) =	vpush v2, $0x2;
	_ =	sdelay $0xb  }
0x3c: {  	s14 =	simm.s32 $0x0  }
0x3d: {  	v10 =	vld [tilespmem:s14+$0x0]  }
0x3e: {  	v11 =	vld [tilespmem:s14+$0x1000]  }
0x3f: {  	v4 =	vsub.f32 v4, v8;
	s31 =	spop (v2sf)  }
0x40: {  	s14 =	ssub.f32 $1.999999960e-02, s31  }
0x41: {  	v5 =	vadd.f32 v3, v5;
	v3 =	vbroadcast v1, $0x2;
	v8 =	vmax.f32 v4, $0.0e+00  }
0x42: {  	s15 =	simm.s32 $0x10;
	v12 =	vadd.f32 v8, v7;
	v4 =	vmov s14  }
0x43: {  	v5 =	vmax.f32 v5, $0.0e+00;
	v7 =	vld [tilespmem:s15+$0x0];
	v11 =	vsub.f32 v3, v11;
	v10 =	vadd.f32 v10, v4  }
0x44: {  	v6 =	vadd.f32 v9, v6;
	v5 =	vmul.f32 v8, v5;
	v8 =	vld [tilespmem:s15+$0x1000]  }
0x45: {  	v11 =	vmax.f32 v11, $0.0e+00;
	v9 =	vmax.f32 v10, $0.0e+00  }
0x46: {  	v5 =	vadd.f32 v5, v6;
	v6 =	vadd.f32 v11, v12;
	s14 =	simm.s32 $0x80;
	v9 =	vmul.f32 v11, v9  }
.LBB2_7:
0x47: {  	p0 =	sne.s32 s14, $0x3FC0  }
.Ltmp2:
0x48: {  	s15 =	sshra.s32 s14, $0x2;
	v5 =	vadd.f32 v9, v5;
	(pc) =	sbr.rel @p0 .LBB2_7-.Ltmp2, $4  }
0x49: {  	s14 =	sadd.s32 $0x40, s14;
	v10 =	vadd.f32 v7, v4;
	v9 =	vsub.f32 v3, v8;
	v7 =	vld [tilespmem:s15+$0x0]  }
0x4a: {  	v8 =	vld [tilespmem:s15+$0x1000]  }
0x4b: {  	v11 =	vmax.f32 v9, $0.0e+00;
	v9 =	vmax.f32 v10, $0.0e+00  }
0x4c: {  	v9 =	vmul.f32 v11, v9;
	v6 =	vadd.f32 v11, v6  }
0x4d: {  	(v2sf) =	vpush v2, $0x3;
	_ =	sdelay $0xb  }
0x4e: {  	s14 =	simm.s32 $0x0  }
0x4f: {  	v10 =	vld [tilespmem:s14+$0x0]  }
0x50: {  	v11 =	vld [tilespmem:s14+$0x1000]  }
0x51: {  	s31 =	spop (v2sf)  }
0x52: {  	v7 =	vadd.f32 v7, v4;
	v8 =	vsub.f32 v3, v8;
	s14 =	ssub.f32 $1.999999960e-02, s31  }
0x53: {  	v5 =	vadd.f32 v9, v5;
	v3 =	vbroadcast v1, $0x3  }
0x54: {  	s15 =	simm.s32 $0x10;
	v7 =	vmax.f32 v7, $0.0e+00;
	v8 =	vmax.f32 v8, $0.0e+00;
	v4 =	vmov s14  }
0x55: {  	v9 =	vmul.f32 v8, v7;
	v7 =	vld [tilespmem:s15+$0x0];
	v11 =	vsub.f32 v3, v11;
	v10 =	vadd.f32 v10, v4  }
0x56: {  	v6 =	vadd.f32 v8, v6;
	v8 =	vld [tilespmem:s15+$0x1000]  }
0x57: {  	v11 =	vmax.f32 v11, $0.0e+00;
	v10 =	vmax.f32 v10, $0.0e+00  }
0x58: {  	v5 =	vadd.f32 v9, v5;
	v6 =	vadd.f32 v11, v6;
	s14 =	simm.s32 $0x80;
	v9 =	vmul.f32 v11, v10  }
.LBB2_9:
0x59: {  	p0 =	sne.s32 s14, $0x3FC0  }
.Ltmp3:
0x5a: {  	s15 =	sshra.s32 s14, $0x2;
	v5 =	vadd.f32 v9, v5;
	(pc) =	sbr.rel @p0 .LBB2_9-.Ltmp3, $4  }
0x5b: {  	s14 =	sadd.s32 $0x40, s14;
	v10 =	vadd.f32 v7, v4;
	v9 =	vsub.f32 v3, v8;
	v7 =	vld [tilespmem:s15+$0x0]  }
0x5c: {  	v8 =	vld [tilespmem:s15+$0x1000]  }
0x5d: {  	v11 =	vmax.f32 v9, $0.0e+00;
	v9 =	vmax.f32 v10, $0.0e+00  }
0x5e: {  	v9 =	vmul.f32 v11, v9;
	v6 =	vadd.f32 v11, v6  }
0x5f: {  	(v2sf) =	vpush v2, $0x4;
	_ =	sdelay $0xb  }
0x60: {  	s14 =	simm.s32 $0x0  }
0x61: {  	v10 =	vld [tilespmem:s14+$0x0]  }
0x62: {  	v11 =	vld [tilespmem:s14+$0x1000]  }
0x63: {  	s31 =	spop (v2sf)  }
0x64: {  	v7 =	vadd.f32 v7, v4;
	v8 =	vsub.f32 v3, v8;
	s14 =	ssub.f32 $1.999999960e-02, s31  }
0x65: {  	v5 =	vadd.f32 v9, v5;
	v3 =	vbroadcast v1, $0x4  }
0x66: {  	s15 =	simm.s32 $0x10;
	v7 =	vmax.f32 v7, $0.0e+00;
	v8 =	vmax.f32 v8, $0.0e+00;
	v4 =	vmov s14  }
0x67: {  	v9 =	vmul.f32 v8, v7;
	v7 =	vld [tilespmem:s15+$0x0];
	v11 =	vsub.f32 v3, v11;
	v10 =	vadd.f32 v10, v4  }
0x68: {  	v6 =	vadd.f32 v8, v6;
	v8 =	vld [tilespmem:s15+$0x1000]  }
0x69: {  	v11 =	vmax.f32 v11, $0.0e+00;
	v10 =	vmax.f32 v10, $0.0e+00  }
0x6a: {  	v5 =	vadd.f32 v9, v5;
	v6 =	vadd.f32 v11, v6;
	s14 =	simm.s32 $0x80;
	v9 =	vmul.f32 v11, v10  }
.LBB2_11:
0x6b: {  	p0 =	sne.s32 s14, $0x3FC0  }
.Ltmp4:
0x6c: {  	s15 =	sshra.s32 s14, $0x2;
	v5 =	vadd.f32 v9, v5;
	(pc) =	sbr.rel @p0 .LBB2_11-.Ltmp4, $4  }
0x6d: {  	s14 =	sadd.s32 $0x40, s14;
	v10 =	vadd.f32 v7, v4;
	v9 =	vsub.f32 v3, v8;
	v7 =	vld [tilespmem:s15+$0x0]  }
0x6e: {  	v8 =	vld [tilespmem:s15+$0x1000]  }
0x6f: {  	v11 =	vmax.f32 v9, $0.0e+00;
	v9 =	vmax.f32 v10, $0.0e+00  }
0x70: {  	v9 =	vmul.f32 v11, v9;
	v6 =	vadd.f32 v11, v6  }
0x71: {  	(v2sf) =	vpush v2, $0x5;
	_ =	sdelay $0xb  }
0x72: {  	s14 =	simm.s32 $0x0  }
0x73: {  	v10 =	vld [tilespmem:s14+$0x0]  }
0x74: {  	v11 =	vld [tilespmem:s14+$0x1000]  }
0x75: {  	s31 =	spop (v2sf)  }
0x76: {  	v7 =	vadd.f32 v7, v4;
	v8 =	vsub.f32 v3, v8;
	s14 =	ssub.f32 $1.999999960e-02, s31  }
0x77: {  	v5 =	vadd.f32 v9, v5;
	v3 =	vbroadcast v1, $0x5  }
0x78: {  	s15 =	simm.s32 $0x10;
	v7 =	vmax.f32 v7, $0.0e+00;
	v8 =	vmax.f32 v8, $0.0e+00;
	v4 =	vmov s14  }
0x79: {  	v9 =	vmul.f32 v8, v7;
	v7 =	vld [tilespmem:s15+$0x0];
	v11 =	vsub.f32 v3, v11;
	v10 =	vadd.f32 v10, v4  }
0x7a: {  	v6 =	vadd.f32 v8, v6;
	v8 =	vld [tilespmem:s15+$0x1000]  }
0x7b: {  	v11 =	vmax.f32 v11, $0.0e+00;
	v10 =	vmax.f32 v10, $0.0e+00  }
0x7c: {  	v5 =	vadd.f32 v9, v5;
	v6 =	vadd.f32 v11, v6;
	s14 =	simm.s32 $0x80;
	v9 =	vmul.f32 v11, v10  }
.LBB2_13:
0x7d: {  	p0 =	sne.s32 s14, $0x3FC0  }
.Ltmp5:
0x7e: {  	s15 =	sshra.s32 s14, $0x2;
	v5 =	vadd.f32 v9, v5;
	(pc) =	sbr.rel @p0 .LBB2_13-.Ltmp5, $4  }
0x7f: {  	s14 =	sadd.s32 $0x40, s14;
	v10 =	vadd.f32 v7, v4;
	v9 =	vsub.f32 v3, v8;
	v7 =	vld [tilespmem:s15+$0x0]  }
0x80: {  	v8 =	vld [tilespmem:s15+$0x1000]  }
0x81: {  	v11 =	vmax.f32 v9, $0.0e+00;
	v9 =	vmax.f32 v10, $0.0e+00  }
0x82: {  	v9 =	vmul.f32 v11, v9;
	v6 =	vadd.f32 v11, v6  }
0x83: {  	(v2sf) =	vpush v2, $0x6;
	_ =	sdelay $0xb  }
0x84: {  	s14 =	simm.s32 $0x0  }
0x85: {  	v10 =	vld [tilespmem:s14+$0x0]  }
0x86: {  	v11 =	vld [tilespmem:s14+$0x1000]  }
0x87: {  	s31 =	spop (v2sf)  }
0x88: {  	v7 =	vadd.f32 v7, v4;
	v8 =	vsub.f32 v3, v8;
	s14 =	ssub.f32 $1.999999960e-02, s31  }
0x89: {  	v5 =	vadd.f32 v9, v5;
	v3 =	vbroadcast v1, $0x6  }
0x8a: {  	s15 =	simm.s32 $0x10;
	v7 =	vmax.f32 v7, $0.0e+00;
	v8 =	vmax.f32 v8, $0.0e+00;
	v4 =	vmov s14  }
0x8b: {  	v9 =	vmul.f32 v8, v7;
	v7 =	vld [tilespmem:s15+$0x0];
	v11 =	vsub.f32 v3, v11;
	v10 =	vadd.f32 v10, v4  }
0x8c: {  	v6 =	vadd.f32 v8, v6;
	v8 =	vld [tilespmem:s15+$0x1000]  }
0x8d: {  	v11 =	vmax.f32 v11, $0.0e+00;
	v10 =	vmax.f32 v10, $0.0e+00  }
0x8e: {  	v5 =	vadd.f32 v9, v5;
	v6 =	vadd.f32 v11, v6;
	s14 =	simm.s32 $0x80;
	v9 =	vmul.f32 v11, v10  }
.LBB2_15:
0x8f: {  	p0 =	sne.s32 s14, $0x3FC0  }
.Ltmp6:
0x90: {  	s15 =	sshra.s32 s14, $0x2;
	v5 =	vadd.f32 v9, v5;
	(pc) =	sbr.rel @p0 .LBB2_15-.Ltmp6, $4  }
0x91: {  	s14 =	sadd.s32 $0x40, s14;
	v10 =	vadd.f32 v7, v4;
	v9 =	vsub.f32 v3, v8;
	v7 =	vld [tilespmem:s15+$0x0]  }
0x92: {  	v8 =	vld [tilespmem:s15+$0x1000]  }
0x93: {  	v11 =	vmax.f32 v9, $0.0e+00;
	v9 =	vmax.f32 v10, $0.0e+00  }
0x94: {  	v9 =	vmul.f32 v11, v9;
	v6 =	vadd.f32 v11, v6  }
0x95: {  	(v2sf) =	vpush v2, $0x7;
	_ =	sdelay $0xb  }
0x96: {  	s14 =	simm.s32 $0x0  }
0x97: {  	v10 =	vld [tilespmem:s14+$0x0]  }
0x98: {  	v11 =	vld [tilespmem:s14+$0x1000]  }
0x99: {  	s31 =	spop (v2sf)  }
0x9a: {  	v7 =	vadd.f32 v7, v4;
	v8 =	vsub.f32 v3, v8;
	s14 =	ssub.f32 $1.999999960e-02, s31  }
0x9b: {  	v5 =	vadd.f32 v9, v5;
	v3 =	vbroadcast v1, $0x7  }
0x9c: {  	s15 =	simm.s32 $0x10;
	v7 =	vmax.f32 v7, $0.0e+00;
	v8 =	vmax.f32 v8, $0.0e+00;
	v4 =	vmov s14  }
0x9d: {  	v9 =	vmul.f32 v8, v7;
	v7 =	vld [tilespmem:s15+$0x0];
	v11 =	vsub.f32 v3, v11;
	v10 =	vadd.f32 v10, v4  }
0x9e: {  	v6 =	vadd.f32 v8, v6;
	v8 =	vld [tilespmem:s15+$0x1000]  }
0x9f: {  	v11 =	vmax.f32 v11, $0.0e+00;
	v10 =	vmax.f32 v10, $0.0e+00  }
0xa0: {  	v5 =	vadd.f32 v9, v5;
	v6 =	vadd.f32 v11, v6;
	s14 =	simm.s32 $0x80;
	v9 =	vmul.f32 v11, v10  }
.LBB2_17:
0xa1: {  	p0 =	sne.s32 s14, $0x3FC0  }
.Ltmp7:
0xa2: {  	s15 =	sshra.s32 s14, $0x2;
	v5 =	vadd.f32 v9, v5;
	(pc) =	sbr.rel @p0 .LBB2_17-.Ltmp7, $4  }
0xa3: {  	s14 =	sadd.s32 $0x40, s14;
	v10 =	vadd.f32 v7, v4;
	v9 =	vsub.f32 v3, v8;
	v7 =	vld [tilespmem:s15+$0x0]  }
0xa4: {  	v8 =	vld [tilespmem:s15+$0x1000]  }
0xa5: {  	v11 =	vmax.f32 v9, $0.0e+00;
	v9 =	vmax.f32 v10, $0.0e+00  }
0xa6: {  	v9 =	vmul.f32 v11, v9;
	v6 =	vadd.f32 v11, v6  }
0xa7: {  	(v2sf) =	vpush v2, $0x8;
	_ =	sdelay $0xb  }
0xa8: {  	s14 =	simm.s32 $0x0  }
0xa9: {  	v10 =	vld [tilespmem:s14+$0x0]  }
0xaa: {  	v11 =	vld [tilespmem:s14+$0x1000]  }
0xab: {  	s31 =	spop (v2sf)  }
0xac: {  	v7 =	vadd.f32 v7, v4;
	v8 =	vsub.f32 v3, v8;
	s14 =	ssub.f32 $1.999999960e-02, s31  }
0xad: {  	v5 =	vadd.f32 v9, v5;
	v3 =	vbroadcast v1, $0x8  }
0xae: {  	s15 =	simm.s32 $0x10;
	v7 =	vmax.f32 v7, $0.0e+00;
	v8 =	vmax.f32 v8, $0.0e+00;
	v4 =	vmov s14  }
0xaf: {  	v9 =	vmul.f32 v8, v7;
	v7 =	vld [tilespmem:s15+$0x0];
	v11 =	vsub.f32 v3, v11;
	v10 =	vadd.f32 v10, v4  }
0xb0: {  	v6 =	vadd.f32 v8, v6;
	v8 =	vld [tilespmem:s15+$0x1000]  }
0xb1: {  	v11 =	vmax.f32 v11, $0.0e+00;
	v10 =	vmax.f32 v10, $0.0e+00  }
0xb2: {  	v5 =	vadd.f32 v9, v5;
	v6 =	vadd.f32 v11, v6;
	s14 =	simm.s32 $0x80;
	v9 =	vmul.f32 v11, v10  }
.LBB2_19:
0xb3: {  	p0 =	sne.s32 s14, $0x3FC0  }
.Ltmp8:
0xb4: {  	s15 =	sshra.s32 s14, $0x2;
	v5 =	vadd.f32 v9, v5;
	(pc) =	sbr.rel @p0 .LBB2_19-.Ltmp8, $4  }
0xb5: {  	s14 =	sadd.s32 $0x40, s14;
	v10 =	vadd.f32 v7, v4;
	v9 =	vsub.f32 v3, v8;
	v7 =	vld [tilespmem:s15+$0x0]  }
0xb6: {  	v8 =	vld [tilespmem:s15+$0x1000]  }
0xb7: {  	v11 =	vmax.f32 v9, $0.0e+00;
	v9 =	vmax.f32 v10, $0.0e+00  }
0xb8: {  	v9 =	vmul.f32 v11, v9;
	v6 =	vadd.f32 v11, v6  }
0xb9: {  	(v2sf) =	vpush v2, $0x9;
	_ =	sdelay $0xb  }
0xba: {  	s14 =	simm.s32 $0x0  }
0xbb: {  	v10 =	vld [tilespmem:s14+$0x0]  }
0xbc: {  	v11 =	vld [tilespmem:s14+$0x1000]  }
0xbd: {  	s31 =	spop (v2sf)  }
0xbe: {  	v7 =	vadd.f32 v7, v4;
	v8 =	vsub.f32 v3, v8;
	s14 =	ssub.f32 $1.999999960e-02, s31  }
0xbf: {  	v5 =	vadd.f32 v9, v5;
	v3 =	vbroadcast v1, $0x9  }
0xc0: {  	s15 =	simm.s32 $0x10;
	v7 =	vmax.f32 v7, $0.0e+00;
	v8 =	vmax.f32 v8, $0.0e+00;
	v4 =	vmov s14  }
0xc1: {  	v9 =	vmul.f32 v8, v7;
	v7 =	vld [tilespmem:s15+$0x0];
	v11 =	vsub.f32 v3, v11;
	v10 =	vadd.f32 v10, v4  }
0xc2: {  	v6 =	vadd.f32 v8, v6;
	v8 =	vld [tilespmem:s15+$0x1000]  }
0xc3: {  	v11 =	vmax.f32 v11, $0.0e+00;
	v10 =	vmax.f32 v10, $0.0e+00  }
0xc4: {  	v5 =	vadd.f32 v9, v5;
	v6 =	vadd.f32 v11, v6;
	s14 =	simm.s32 $0x80;
	v9 =	vmul.f32 v11, v10  }
.LBB2_21:
0xc5: {  	p0 =	sne.s32 s14, $0x3FC0  }
.Ltmp9:
0xc6: {  	s15 =	sshra.s32 s14, $0x2;
	v5 =	vadd.f32 v9, v5;
	(pc) =	sbr.rel @p0 .LBB2_21-.Ltmp9, $4  }
0xc7: {  	s14 =	sadd.s32 $0x40, s14;
	v10 =	vadd.f32 v7, v4;
	v9 =	vsub.f32 v3, v8;
	v7 =	vld [tilespmem:s15+$0x0]  }
0xc8: {  	v8 =	vld [tilespmem:s15+$0x1000]  }
0xc9: {  	v11 =	vmax.f32 v9, $0.0e+00;
	v9 =	vmax.f32 v10, $0.0e+00  }
0xca: {  	v9 =	vmul.f32 v11, v9;
	v6 =	vadd.f32 v11, v6  }
0xcb: {  	(v2sf) =	vpush v2, $0xA;
	_ =	sdelay $0xb  }
0xcc: {  	s14 =	simm.s32 $0x0  }
0xcd: {  	v10 =	vld [tilespmem:s14+$0x0]  }
0xce: {  	v11 =	vld [tilespmem:s14+$0x1000]  }
0xcf: {  	s31 =	spop (v2sf)  }
0xd0: {  	v7 =	vadd.f32 v7, v4;
	v8 =	vsub.f32 v3, v8;
	s14 =	ssub.f32 $1.999999960e-02, s31  }
0xd1: {  	v5 =	vadd.f32 v9, v5;
	v3 =	vbroadcast v1, $0xA  }
0xd2: {  	s15 =	simm.s32 $0x10;
	v7 =	vmax.f32 v7, $0.0e+00;
	v8 =	vmax.f32 v8, $0.0e+00;
	v4 =	vmov s14  }
0xd3: {  	v9 =	vmul.f32 v8, v7;
	v7 =	vld [tilespmem:s15+$0x0];
	v11 =	vsub.f32 v3, v11;
	v10 =	vadd.f32 v10, v4  }
0xd4: {  	v6 =	vadd.f32 v8, v6;
	v8 =	vld [tilespmem:s15+$0x1000]  }
0xd5: {  	v11 =	vmax.f32 v11, $0.0e+00;
	v10 =	vmax.f32 v10, $0.0e+00  }
0xd6: {  	v5 =	vadd.f32 v9, v5;
	v6 =	vadd.f32 v11, v6;
	s14 =	simm.s32 $0x80;
	v9 =	vmul.f32 v11, v10  }
.LBB2_23:
0xd7: {  	p0 =	sne.s32 s14, $0x3FC0  }
.Ltmp10:
0xd8: {  	s15 =	sshra.s32 s14, $0x2;
	v5 =	vadd.f32 v9, v5;
	(pc) =	sbr.rel @p0 .LBB2_23-.Ltmp10, $4  }
0xd9: {  	s14 =	sadd.s32 $0x40, s14;
	v10 =	vadd.f32 v7, v4;
	v9 =	vsub.f32 v3, v8;
	v7 =	vld [tilespmem:s15+$0x0]  }
0xda: {  	v8 =	vld [tilespmem:s15+$0x1000]  }
0xdb: {  	v11 =	vmax.f32 v9, $0.0e+00;
	v9 =	vmax.f32 v10, $0.0e+00  }
0xdc: {  	v9 =	vmul.f32 v11, v9;
	v6 =	vadd.f32 v11, v6  }
0xdd: {  	(v2sf) =	vpush v2, $0xB;
	_ =	sdelay $0xb  }
0xde: {  	s14 =	simm.s32 $0x0  }
0xdf: {  	v10 =	vld [tilespmem:s14+$0x0]  }
0xe0: {  	v11 =	vld [tilespmem:s14+$0x1000]  }
0xe1: {  	s31 =	spop (v2sf)  }
0xe2: {  	v7 =	vadd.f32 v7, v4;
	v8 =	vsub.f32 v3, v8;
	s14 =	ssub.f32 $1.999999960e-02, s31  }
0xe3: {  	v5 =	vadd.f32 v9, v5;
	v3 =	vbroadcast v1, $0xB  }
0xe4: {  	s15 =	simm.s32 $0x10;
	v7 =	vmax.f32 v7, $0.0e+00;
	v8 =	vmax.f32 v8, $0.0e+00;
	v4 =	vmov s14  }
0xe5: {  	v9 =	vmul.f32 v8, v7;
	v7 =	vld [tilespmem:s15+$0x0];
	v11 =	vsub.f32 v3, v11;
	v10 =	vadd.f32 v10, v4  }
0xe6: {  	v6 =	vadd.f32 v8, v6;
	v8 =	vld [tilespmem:s15+$0x1000]  }
0xe7: {  	v11 =	vmax.f32 v11, $0.0e+00;
	v10 =	vmax.f32 v10, $0.0e+00  }
0xe8: {  	v5 =	vadd.f32 v9, v5;
	v6 =	vadd.f32 v11, v6;
	s14 =	simm.s32 $0x80;
	v9 =	vmul.f32 v11, v10  }
.LBB2_25:
0xe9: {  	p0 =	sne.s32 s14, $0x3FC0  }
.Ltmp11:
0xea: {  	s15 =	sshra.s32 s14, $0x2;
	v5 =	vadd.f32 v9, v5;
	(pc) =	sbr.rel @p0 .LBB2_25-.Ltmp11, $4  }
0xeb: {  	s14 =	sadd.s32 $0x40, s14;
	v10 =	vadd.f32 v7, v4;
	v9 =	vsub.f32 v3, v8;
	v7 =	vld [tilespmem:s15+$0x0]  }
0xec: {  	v8 =	vld [tilespmem:s15+$0x1000]  }
0xed: {  	v11 =	vmax.f32 v9, $0.0e+00;
	v9 =	vmax.f32 v10, $0.0e+00  }
0xee: {  	v9 =	vmul.f32 v11, v9;
	v6 =	vadd.f32 v11, v6  }
0xef: {  	(v2sf) =	vpush v2, $0xC;
	_ =	sdelay $0xb  }
0xf0: {  	s14 =	simm.s32 $0x0  }
0xf1: {  	v10 =	vld [tilespmem:s14+$0x0]  }
0xf2: {  	v11 =	vld [tilespmem:s14+$0x1000]  }
0xf3: {  	s31 =	spop (v2sf)  }
0xf4: {  	v7 =	vadd.f32 v7, v4;
	v8 =	vsub.f32 v3, v8;
	s14 =	ssub.f32 $1.999999960e-02, s31  }
0xf5: {  	v5 =	vadd.f32 v9, v5;
	v3 =	vbroadcast v1, $0xC  }
0xf6: {  	s15 =	simm.s32 $0x10;
	v7 =	vmax.f32 v7, $0.0e+00;
	v8 =	vmax.f32 v8, $0.0e+00;
	v4 =	vmov s14  }
0xf7: {  	v9 =	vmul.f32 v8, v7;
	v7 =	vld [tilespmem:s15+$0x0];
	v11 =	vsub.f32 v3, v11;
	v10 =	vadd.f32 v10, v4  }
0xf8: {  	v6 =	vadd.f32 v8, v6;
	v8 =	vld [tilespmem:s15+$0x1000]  }
0xf9: {  	v11 =	vmax.f32 v11, $0.0e+00;
	v10 =	vmax.f32 v10, $0.0e+00  }
0xfa: {  	v5 =	vadd.f32 v9, v5;
	v6 =	vadd.f32 v11, v6;
	s14 =	simm.s32 $0x80;
	v9 =	vmul.f32 v11, v10  }
.LBB2_27:
0xfb: {  	p0 =	sne.s32 s14, $0x3FC0  }
.Ltmp12:
0xfc: {  	s15 =	sshra.s32 s14, $0x2;
	v5 =	vadd.f32 v9, v5;
	(pc) =	sbr.rel @p0 .LBB2_27-.Ltmp12, $4  }
0xfd: {  	s14 =	sadd.s32 $0x40, s14;
	v10 =	vadd.f32 v7, v4;
	v9 =	vsub.f32 v3, v8;
	v7 =	vld [tilespmem:s15+$0x0]  }
0xfe: {  	v8 =	vld [tilespmem:s15+$0x1000]  }
0xff: {  	v11 =	vmax.f32 v9, $0.0e+00;
	v9 =	vmax.f32 v10, $0.0e+00  }
0x100: {  	v9 =	vmul.f32 v11, v9;
	v6 =	vadd.f32 v11, v6  }
0x101: {  	(v2sf) =	vpush v2, $0xD;
	_ =	sdelay $0xb  }
0x102: {  	s14 =	simm.s32 $0x0  }
0x103: {  	v10 =	vld [tilespmem:s14+$0x0]  }
0x104: {  	v11 =	vld [tilespmem:s14+$0x1000]  }
0x105: {  	s31 =	spop (v2sf)  }
0x106: {  	v7 =	vadd.f32 v7, v4;
	v8 =	vsub.f32 v3, v8;
	s14 =	ssub.f32 $1.999999960e-02, s31  }
0x107: {  	v5 =	vadd.f32 v9, v5;
	v3 =	vbroadcast v1, $0xD  }
0x108: {  	s15 =	simm.s32 $0x10;
	v7 =	vmax.f32 v7, $0.0e+00;
	v8 =	vmax.f32 v8, $0.0e+00;
	v4 =	vmov s14  }
0x109: {  	v9 =	vmul.f32 v8, v7;
	v7 =	vld [tilespmem:s15+$0x0];
	v11 =	vsub.f32 v3, v11;
	v10 =	vadd.f32 v10, v4  }
0x10a: {  	v6 =	vadd.f32 v8, v6;
	v8 =	vld [tilespmem:s15+$0x1000]  }
0x10b: {  	v11 =	vmax.f32 v11, $0.0e+00;
	v10 =	vmax.f32 v10, $0.0e+00  }
0x10c: {  	v5 =	vadd.f32 v9, v5;
	v6 =	vadd.f32 v11, v6;
	s14 =	simm.s32 $0x80;
	v9 =	vmul.f32 v11, v10  }
.LBB2_29:
0x10d: {  	p0 =	sne.s32 s14, $0x3FC0  }
.Ltmp13:
0x10e: {  	s15 =	sshra.s32 s14, $0x2;
	v5 =	vadd.f32 v9, v5;
	(pc) =	sbr.rel @p0 .LBB2_29-.Ltmp13, $4  }
0x10f: {  	s14 =	sadd.s32 $0x40, s14;
	v10 =	vadd.f32 v7, v4;
	v9 =	vsub.f32 v3, v8;
	v7 =	vld [tilespmem:s15+$0x0]  }
0x110: {  	v8 =	vld [tilespmem:s15+$0x1000]  }
0x111: {  	v11 =	vmax.f32 v9, $0.0e+00;
	v9 =	vmax.f32 v10, $0.0e+00  }
0x112: {  	v9 =	vmul.f32 v11, v9;
	v6 =	vadd.f32 v11, v6  }
0x113: {  	(v2sf) =	vpush v2, $0xE;
	_ =	sdelay $0xb  }
0x114: {  	s14 =	simm.s32 $0x0  }
0x115: {  	v10 =	vld [tilespmem:s14+$0x0]  }
0x116: {  	v11 =	vld [tilespmem:s14+$0x1000]  }
0x117: {  	s31 =	spop (v2sf)  }
0x118: {  	v7 =	vadd.f32 v7, v4;
	v8 =	vsub.f32 v3, v8;
	s14 =	ssub.f32 $1.999999960e-02, s31  }
0x119: {  	v5 =	vadd.f32 v9, v5;
	v3 =	vbroadcast v1, $0xE  }
0x11a: {  	s15 =	simm.s32 $0x10;
	v7 =	vmax.f32 v7, $0.0e+00;
	v8 =	vmax.f32 v8, $0.0e+00;
	v4 =	vmov s14  }
0x11b: {  	v9 =	vmul.f32 v8, v7;
	v7 =	vld [tilespmem:s15+$0x0];
	v11 =	vsub.f32 v3, v11;
	v10 =	vadd.f32 v10, v4  }
0x11c: {  	v6 =	vadd.f32 v8, v6;
	v8 =	vld [tilespmem:s15+$0x1000]  }
0x11d: {  	v11 =	vmax.f32 v11, $0.0e+00;
	v10 =	vmax.f32 v10, $0.0e+00  }
0x11e: {  	v5 =	vadd.f32 v9, v5;
	v6 =	vadd.f32 v11, v6;
	s14 =	simm.s32 $0x80;
	v9 =	vmul.f32 v11, v10  }
.LBB2_31:
0x11f: {  	p0 =	sne.s32 s14, $0x3FC0  }
.Ltmp14:
0x120: {  	s15 =	sshra.s32 s14, $0x2;
	v5 =	vadd.f32 v9, v5;
	(pc) =	sbr.rel @p0 .LBB2_31-.Ltmp14, $4  }
0x121: {  	s14 =	sadd.s32 $0x40, s14;
	v10 =	vadd.f32 v7, v4;
	v9 =	vsub.f32 v3, v8;
	v7 =	vld [tilespmem:s15+$0x0]  }
0x122: {  	v8 =	vld [tilespmem:s15+$0x1000]  }
0x123: {  	v11 =	vmax.f32 v9, $0.0e+00;
	v9 =	vmax.f32 v10, $0.0e+00  }
0x124: {  	v9 =	vmul.f32 v11, v9;
	v6 =	vadd.f32 v11, v6  }
0x125: {  	(v2sf) =	vpush v2, $0xF;
	_ =	sdelay $0xb  }
0x126: {  	s14 =	simm.s32 $0x0  }
0x127: {  	v10 =	vld [tilespmem:s14+$0x0]  }
0x128: {  	v11 =	vld [tilespmem:s14+$0x1000]  }
0x129: {  	s31 =	spop (v2sf)  }
0x12a: {  	v2 =	vsub.f32 v3, v8;
	s14 =	ssub.f32 $1.999999960e-02, s31  }
0x12b: {  	v1 =	vbroadcast v1, $0xF;
	v3 =	vadd.f32 v7, v4  }
0x12c: {  	s15 =	simm.s32 $0x10;
	v9 =	vadd.f32 v9, v5;
	v4 =	vmax.f32 v2, $0.0e+00;
	v2 =	vmov s14  }
0x12d: {  	v5 =	vld [tilespmem:s15+$0x0];
	v3 =	vmax.f32 v3, $0.0e+00;
	v7 =	vsub.f32 v1, v11;
	v8 =	vadd.f32 v10, v2  }
0x12e: {  	v3 =	vmul.f32 v4, v3;
	v4 =	vadd.f32 v4, v6;
	v6 =	vld [tilespmem:s15+$0x1000]  }
0x12f: {  	v63 =	vmax.f32 v7, $0.0e+00;
	v7 =	vmax.f32 v8, $0.0e+00  }
0x130: {  	v3 =	vadd.f32 v3, v9;
	v4 =	vadd.f32 v63, v4;
	s14 =	simm.s32 $0x80;
	v7 =	vmul.f32 v63, v7  }
.LBB2_33:
0x131: {  	p0 =	sne.s32 s14, $0x3FC0  }
.Ltmp15:
0x132: {  	s15 =	sshra.s32 s14, $0x2;
	v3 =	vadd.f32 v7, v3;
	(pc) =	sbr.rel @p0 .LBB2_33-.Ltmp15, $4  }
0x133: {  	s14 =	sadd.s32 $0x40, s14;
	v8 =	vadd.f32 v5, v2;
	v7 =	vsub.f32 v1, v6;
	v5 =	vld [tilespmem:s15+$0x0]  }
0x134: {  	v6 =	vld [tilespmem:s15+$0x1000]  }
0x135: {  	v9 =	vmax.f32 v7, $0.0e+00;
	v7 =	vmax.f32 v8, $0.0e+00  }
0x136: {  	v7 =	vmul.f32 v9, v7;
	v4 =	vadd.f32 v9, v4  }
0x137: {  	_ = 	snop  }
0x138: {  	s13 =	sadd.s32 $0x1, s13  }
0x139: {  	v2 =	vadd.f32 v5, v2;
	p0 =	sne.s32 s13, $0x8;
	v1 =	vsub.f32 v1, v6  }
.Ltmp16:
0x13a: {  	_ = 	snop;
	(pc) =	sbr.rel @p0 .LBB2_2-.Ltmp16, $3  }
0x13b: {  	v2 =	vmax.f32 v2, $0.0e+00;
	v1 =	vmax.f32 v1, $0.0e+00  }
0x13c: {  	v3 =	vadd.f32 v7, v3;
	v2 =	vmul.f32 v1, v2;
	_ =	sdelay $0x1  }
0x13d: {  	v6 =	vadd.f32 v1, v4;
	v3 =	vadd.f32 v2, v3  }
0x13e: {  	_ = 	snop  }
0x13f: {  	[tilespmem:$0x2000] =	vst v3  }
0x140: {  	[tilespmem:$0x2080] =	vst v6  }
0x141: {  	[hbm4b:s5+s4] =	stream.linear.scatter [tilespmem:s10], [sflag:$0x1], $0x80, $0x38;
	[tilespmem:$0x2100] =	vst v63  }
0x142: {  	s12 =	sadd.s32 $0x1, s12;
	_ =	swait.ge [sflag:s8], $0x80  }
0x143: {  	p0 =	sne.s32 s12, s7;
	[sflag:s8] =	ssyncset.done $0x0  }
.Ltmp17:
0x144: {  	[sflag:s8] =	ssyncadd.s32 $0xFFFFFF80;
	(pc) =	sbr.rel @p0 .LBB2_1-.Ltmp17, $4  }
0x145: {  	[hbm4b:s6+s4] =	stream.linear.scatter [tilespmem:s11], [sflag:$0x1], $0x80, $0x38;
	[tilespmem:$0x2100] =	vst v63  }
0x146: {  	_ =	swait.ge [sflag:s8], $0x80  }
0x147: {  	[sflag:s8] =	ssyncset.done $0x0  }
0x148: {  	[sflag:s8] =	ssyncadd.s32 $0xFFFFFF80  }
0x149: {  	_ =	sfence.sel $0x180000  }
0x14a: {  	[bflag:$0x0] =	sbarrier.arrive $0xFFFF  }
0x14b: {  	p0 =	sne.s32 s0, $0x0;
	_ =	strace $0x90000047  }
0x14c: {  	s0 =	sadd.s32 @!p0 $0x100000, s2;
	[bflag:$0x2] =	sbarrier.arrive $0xFFFF  }
0x14d: {  	[sflag:s0] =	ssyncadd.tile.s32 @!p0 $0x1;
	_ =	shalt  }
.Lfunc_end2:
_tile_overlayer_lowered:
.L_overlay_start_2:
0x14e: {  	(tag) =	ssettag $0x2  }
0x14f: {  	s0 =	rddreg [dreg:$0x0];
	s2 =	stileid.u32  }
0x150: {  	s1 =	rddreg [dreg:$0x1];
	p0 =	sne.s32 s2, $0x0  }
0x151: {  	s3 =	rddreg [dreg:$0x2];
	[bflag:$0x3] =	sbarrier.arrive $0xFFFF;
	s2 =	simm.s32 @!p0 $0x1C01  }
0x152: {  	[timem:s3], [sflag:s2] =	dma.local @!p0 [hbm:s0], s1  }
0x153: {  	s0 =	simm.s32 @!p0 $0x1  }
0x154: {  	_ =	swait.ge @!p0 [sflag:s0], s1  }
0x155: {  	s1 =	ssub.s32 @!p0 $0x0, s1;
	[sflag:s0] =	ssyncset.done @!p0 $0x0  }
0x156: {  	[sflag:s0] =	ssyncadd.s32 @!p0 s1  }
0x157: {  	[bflag:$0x3] =	sbarrier.arrive $0xFFFF  }
0x158: {  	_ =	shalt  }

</sc_bundles>
